<compile_context>
chip_gen: v7x
topology: tpu7x:2x2x1
jax: 0.10.2.dev20260603
libtpu: 0.0.44.dev20260713+nightly
codegen_flags: <defaults>
</compile_context>

<pallas_src>
import functools

import jax
import jax.numpy as jnp
from jax import lax
from jax.experimental import pallas as pl
from jax.experimental.pallas import tpu as pltpu

GS = 256
TRUNC_VOX = 39
NARROW_VOX = 13
VS = 2.0 / GS
TRUNC = VS * TRUNC_VOX
NARROW = VS * NARROW_VOX
NSTEP = TRUNC_VOX + NARROW_VOX
NVOX = GS ** 3

NRAY = 65536
SP = 56
SENT = 0x3FFFFFFF
_BR = 4096


def _precompute_body(org_ref, dir_ref, dep_ref, flat_ref):
    ox, oy, oz = org_ref[0:1, :], org_ref[1:2, :], org_ref[2:3, :]
    dx, dy, dz = dir_ref[0:1, :], dir_ref[1:2, :], dir_ref[2:3, :]
    d = dep_ref[0:1, :]
    inv = 1.0 / (jnp.sqrt(dx * dx + dy * dy + dz * dz) + 1e-8)
    dx, dy, dz = dx * inv, dy * inv, dz * inv
    s = jax.lax.broadcasted_iota(jnp.int32, (SP, 1), 0)
    z = (d - TRUNC) + s.astype(jnp.float32) * VS
    px = ox + z * dx
    py = oy + z * dy
    pz = oz + z * dz
    inb = ((px > -1.0) & (px < 1.0) & (py > -1.0) & (py < 1.0)
           & (pz > -1.0) & (pz < 1.0) & (s < NSTEP))
    vx = jnp.clip(jnp.floor((px + 1.0) / VS).astype(jnp.int32), 0, GS - 1)
    vy = jnp.clip(jnp.floor((py + 1.0) / VS).astype(jnp.int32), 0, GS - 1)
    vz = jnp.clip(jnp.floor((pz + 1.0) / VS).astype(jnp.int32), 0, GS - 1)
    flat = (vx * GS + vy) * GS + vz
    flat_ref[...] = jnp.where(inb, flat, SENT)


def _precompute(origin, direction, depth):
    grid = (NRAY // _BR,)
    o3 = pl.BlockSpec((3, _BR), lambda i: (0, i))
    o1 = pl.BlockSpec((1, _BR), lambda i: (0, i))
    flat = pl.pallas_call(
        _precompute_body,
        grid=grid,
        in_specs=[o3, o3, o1],
        out_specs=pl.BlockSpec((SP, _BR), lambda i: (0, i)),
        out_shape=jax.ShapeDtypeStruct((SP, NRAY), jnp.int32),
    )(origin.T, direction.T, depth.T)
    return flat.reshape(-1)



NT = SP * NRAY
NRANGE = 32
VR = NVOX // NRANGE
BLK = 8192
NBLK = NT // BLK
PER_TILE = NBLK // 16
SLICE = VR // 16
FCH = 4096
ZB = 8192


def _step_consts(s):
    sf = jnp.full((16,), s, jnp.int32).astype(jnp.float32)
    sdf = TRUNC - sf * VS
    tsdf = jnp.clip(sdf / TRUNC, -1.0, 1.0)
    w = jnp.where(sdf >= 0.0, 1.0, jnp.clip(1.0 + sdf / NARROW, 0.0, 1.0))
    return w, tsdf * w


def _sc_body(fl_hbm, tg_hbm, wg_hbm, out_hbm,
             fl_buf, idx_st, w_st, t_st, gw, gt, bw, bt, zbuf,
             acc_w, acc_ts):
    from jax.experimental.pallas import tpu_sc as plsc
    c = lax.axis_index("c")
    sid = lax.axis_index("s")

    def zb_fill(i, _):
        zbuf[pl.ds(i * 16, 16)] = jnp.zeros((16,), jnp.float32)
        return 0
    lax.fori_loop(0, ZB // 16, zb_fill, 0)

    def pass_body(p, _):
        vbase = (c * 16 + p) * VR

        def zero1(k, _):
            off = sid * SLICE + k * ZB
            pltpu.sync_copy(zbuf, acc_w.at[pl.ds(off, ZB)])
            pltpu.sync_copy(zbuf, acc_ts.at[pl.ds(off, ZB)])
            return 0
        lax.fori_loop(0, SLICE // ZB, zero1, 0)
        plsc.subcore_barrier()

        def block_body(b, _):
            blk = sid * PER_TILE + b
            pltpu.sync_copy(fl_hbm.at[pl.ds(blk * BLK, BLK)], fl_buf)
            wc, tc = _step_consts(blk >> 3)

            lane = lax.iota(jnp.int32, 16)

            def vloop(i, _):
                sl = pl.ds(i * 16, 16)
                li = fl_buf[sl] - vbase
                m = (li >= 0) & (li < VR)
                idx_st[sl] = jnp.where(m, li, VR + i * 16 + lane)
                w_st[sl] = jnp.where(m, wc, 0.0)
                t_st[sl] = jnp.where(m, tc, 0.0)
                return 0
            lax.fori_loop(0, BLK // 16, vloop, 0)

            pltpu.sync_copy(w_st, acc_w.at[idx_st], add=True)
            pltpu.sync_copy(t_st, acc_ts.at[idx_st], add=True)
            return 0
        lax.fori_loop(0, PER_TILE, block_body, 0)
        plsc.subcore_barrier()

        def fin(k, _):
            loc = sid * SLICE + k * FCH
            g = vbase + loc
            pltpu.sync_copy(acc_w.at[pl.ds(loc, FCH)], gw)
            pltpu.sync_copy(acc_ts.at[pl.ds(loc, FCH)], gt)
            pltpu.sync_copy(wg_hbm.at[pl.ds(g, FCH)], bw)
            pltpu.sync_copy(tg_hbm.at[pl.ds(g, FCH)], bt)

            def vf(i, _):
                sl = pl.ds(i * 16, 16)
                wa = gw[sl]
                ta = gt[sl]
                wg0 = bw[sl]
                tg0 = bt[sl]
                nw = wg0 + wa
                nt = jnp.where(nw > 0.0,
                               (tg0 * wg0 + ta) / jnp.maximum(nw, 1e-8),
                               tg0)
                gw[sl] = nw
                gt[sl] = nt
                return 0
            lax.fori_loop(0, FCH // 16, vf, 0)
            pltpu.sync_copy(gt, out_hbm.at[pl.ds(g, FCH)])
            pltpu.sync_copy(gw, out_hbm.at[pl.ds(NVOX + g, FCH)])
            return 0
        lax.fori_loop(0, SLICE // FCH, fin, 0)
        plsc.subcore_barrier()
        return 0

    lax.fori_loop(0, NRANGE // 2, pass_body, 0)


def _sc_scatter(flat_f, tsdf_grid, weight_grid):
    from jax.experimental.pallas import tpu_sc as plsc
    mesh = plsc.VectorSubcoreMesh(core_axis_name="c", subcore_axis_name="s")
    f = functools.partial(
        pl.kernel, mesh=mesh,
        out_type=jax.ShapeDtypeStruct((2 * NVOX,), jnp.float32),
        scratch_types=[
            pltpu.VMEM((BLK,), jnp.int32),
            pltpu.VMEM((BLK,), jnp.int32),
            pltpu.VMEM((BLK,), jnp.float32),
            pltpu.VMEM((BLK,), jnp.float32),
            pltpu.VMEM((FCH,), jnp.float32),
            pltpu.VMEM((FCH,), jnp.float32),
            pltpu.VMEM((FCH,), jnp.float32),
            pltpu.VMEM((FCH,), jnp.float32),
            pltpu.VMEM((ZB,), jnp.float32),
            pltpu.VMEM_SHARED((VR + BLK,), jnp.float32),
            pltpu.VMEM_SHARED((VR + BLK,), jnp.float32),
        ],
    )(_sc_body)
    return f(flat_f, tsdf_grid, weight_grid)


def kernel(origin, direction, depth, tsdf_grid, weight_grid):
    flat_f = _precompute(origin, direction, depth)
    out = _sc_scatter(flat_f, tsdf_grid, weight_grid)
    return out.reshape(2, NVOX)

# --- scband reference (transcript-rebuilt; emitter-appended) ---
"""Pipeline reference for scband-tsdfsampler-88364657148062 (READ-ONLY COPY).

The authoritative reference and input builder live on the scoring server;
editing this copy changes nothing except your own understanding.
"""

import jax, jax.numpy as jnp
import numpy as np

GRID_SIZE = 256
TRUNC_VOX = 39
NARROW_VOX = 13
WEIGHT_TYPE = 1
N_RAYS = 65536
VOXEL_SIZE = 2.0 / GRID_SIZE
TRUNC = VOXEL_SIZE * TRUNC_VOX
NARROW = VOXEL_SIZE * NARROW_VOX
N_STEPS = TRUNC_VOX + NARROW_VOX  # samples per ray covering [-narrow, +trunc] band around the surface


def setup_inputs(seed: int = 0) -> dict:
    key = jax.random.key(seed)
    k1, k2, k3 = jax.random.split(key, 3)
    origin = jax.random.uniform(k1, (N_RAYS, 3), dtype=jnp.float32) * 1.6 - 0.8
    direction = jax.random.normal(k2, (N_RAYS, 3), dtype=jnp.float32)
    depth = jax.random.uniform(k3, (N_RAYS, 1), dtype=jnp.float32) * 1.2 + 0.2
    # persistent buffers of TSDFSampler (registered buffers sized grid_size**3)
    tsdf_grid = -jnp.ones((GRID_SIZE ** 3,), dtype=jnp.float32)
    weight_grid = jnp.zeros((GRID_SIZE ** 3,), dtype=jnp.float32)
    return {"origin": origin, "direction": direction, "depth": depth,
            "tsdf_grid": tsdf_grid, "weight_grid": weight_grid}


def reference(origin, direction, depth, tsdf_grid, weight_grid):
    # Faithful jax translation of TSDFSampler.update_tsdf_grid (raymarching.update_tsdf):
    # integrate per-ray truncated signed distances into the dense TSDF/weight grids
    # via weighted-average scatter updates.
    dirs = direction / (jnp.linalg.norm(direction, axis=-1, keepdims=True) + 1e-8)
    d = depth[:, 0]  # [B]
    step = jnp.arange(N_STEPS, dtype=jnp.float32)
    # sample depths along each ray covering the truncation band around the surface
    z = d[:, None] - TRUNC + step[None, :] * VOXEL_SIZE            # [B, S]
    pos = origin[:, None, :] + z[..., None] * dirs[:, None, :]     # [B, S, 3]
    sdf = d[:, None] - z                                           # [B, S] signed dist along ray
    tsdf_val = jnp.clip(sdf / TRUNC, -1.0, 1.0)
    if WEIGHT_TYPE == 1:
        w = jnp.where(sdf >= 0.0, 1.0, jnp.clip(1.0 + sdf / NARROW, 0.0, 1.0))
    else:
        w = jnp.ones_like(sdf)
    in_bounds = jnp.all((pos > -1.0) & (pos < 1.0), axis=-1)
    in_band = (sdf >= -NARROW) & (sdf <= TRUNC)
    valid = (in_bounds & in_band).astype(jnp.float32)
    vox = jnp.clip(jnp.floor((pos + 1.0) / VOXEL_SIZE).astype(jnp.int32), 0, GRID_SIZE - 1)
    flat = (vox[..., 0] * GRID_SIZE + vox[..., 1]) * GRID_SIZE + vox[..., 2]  # [B, S]
    wv = w * valid
    flat_f = flat.reshape(-1)
    wv_f = wv.reshape(-1)
    tv_f = (tsdf_val * wv).reshape(-1)
    w_add = jnp.zeros((GRID_SIZE ** 3,), dtype=jnp.float32).at[flat_f].add(wv_f)
    ts_add = jnp.zeros((GRID_SIZE ** 3,), dtype=jnp.float32).at[flat_f].add(tv_f)
    new_w = weight_grid + w_add
    new_tsdf = jnp.where(new_w > 0.0,
                         (tsdf_grid * weight_grid + ts_add) / jnp.maximum(new_w, 1e-8),
                         tsdf_grid)
    return jnp.stack([new_tsdf, new_w], axis=0)

if __name__ == "__main__":
    import jax
    _d = setup_inputs()
    print(jax.jit(kernel)(*tuple(_d.values())))

</pallas_src>

<mosaic_0001>
#map = affine_map<(d0, d1) -> (0)>
module attributes {stable_mosaic.version = 14 : i64} {
  func.func @_sc_body(%arg0: i32, %arg1: i32, %arg2: memref<3670016xi32, #tpu.memory_space<hbm>>, %arg3: memref<16777216xf32, #tpu.memory_space<hbm>>, %arg4: memref<16777216xf32, #tpu.memory_space<hbm>>, %arg5: memref<33554432xf32, #tpu.memory_space<hbm>>, %arg6: memref<8192xi32, #tpu.memory_space<vmem>>, %arg7: memref<8192xi32, #tpu.memory_space<vmem>>, %arg8: memref<8192xf32, #tpu.memory_space<vmem>>, %arg9: memref<8192xf32, #tpu.memory_space<vmem>>, %arg10: memref<4096xf32, #tpu.memory_space<vmem>>, %arg11: memref<4096xf32, #tpu.memory_space<vmem>>, %arg12: memref<4096xf32, #tpu.memory_space<vmem>>, %arg13: memref<4096xf32, #tpu.memory_space<vmem>>, %arg14: memref<8192xf32, #tpu.memory_space<vmem>>, %arg15: memref<532480xf32, #tpu.memory_space<vmem_shared>>, %arg16: memref<532480xf32, #tpu.memory_space<vmem_shared>>) attributes {dimension_semantics = [#tpu.dimension_semantics<core_parallel>, #tpu.dimension_semantics<subcore_parallel>], iteration_bounds = array<i64: 2, 16>, scalar_prefetch = 0 : i64, scratch_operands = 11 : i64, tpu.core_type = #tpu.core_type<sc_vector_subcore>, window_params = [{transform_indices = #map}, {transform_indices = #map}, {transform_indices = #map}, {transform_indices = #map}]} {
    %scan3A = arith.constant 0 : i32
    %scan3A_0 = arith.constant 0 : i32
    %scan3A_1 = arith.constant 512 : i32
    %scan3A_2 = arith.addi %scan3A_0, %scan3A_1 : i32
    %scan3A_3 = arith.constant 1 : i32
    %scan3A_4 = scf.for %scan3A_13 = %scan3A_0 to %scan3A_2 step %scan3A_3 iter_args(%scan3A_14 = %scan3A) -> (i32)  : i32 {
      %broadcast_in_dim3A = arith.constant 0.000000e+00 : f32
      %broadcast_in_dim3A_15 = vector.broadcast %broadcast_in_dim3A : f32 to vector<16xf32>
      %mul3A = arith.constant 16 : i32
      %mul3A_16 = arith.muli %scan3A_13, %mul3A : i32
      %swap3A = arith.index_cast %mul3A_16 : i32 to index
      %swap3A_17 = tpu.vector_load %arg14[%swap3A] {strides = array<i32>} : memref<8192xf32, #tpu.memory_space<vmem>>, vector<16xf32>,
      %swap3A_18 = vector.shape_cast %swap3A_17 : vector<16xf32> to vector<16xf32>
      %swap3A_19 = vector.shape_cast %broadcast_in_dim3A_15 : vector<16xf32> to vector<16xf32>
      tpu.vector_store %arg14[%swap3A], %swap3A_19 {strides = array<i32>} : memref<8192xf32, #tpu.memory_space<vmem>>, vector<16xf32>,
      %scan3A_20 = arith.constant 0 : i32
      scf.yield %scan3A_20 : i32
    }
    %scan3A_5 = arith.constant 512 : i32
    %scan3A_6 = arith.constant 0 : i32
    %scan3A_7 = arith.constant 0 : i32
    %scan3A_8 = arith.constant 16 : i32
    %scan3A_9 = arith.addi %scan3A_7, %scan3A_8 : i32
    %scan3A_10 = arith.constant 1 : i32
    %scan3A_11 = scf.for %scan3A_13 = %scan3A_7 to %scan3A_9 step %scan3A_10 iter_args(%scan3A_14 = %scan3A_6) -> (i32)  : i32 {
      %mul3A = arith.constant 16 : i32
      %mul3A_15 = arith.muli %arg0, %mul3A : i32
      %add3A = arith.addi %mul3A_15, %scan3A_13 : i32
      %mul3A_16 = arith.constant 524288 : i32
      %mul3A_17 = arith.muli %add3A, %mul3A_16 : i32
      %scan3A_18 = arith.constant 0 : i32
      %scan3A_19 = arith.constant 0 : i32
      %scan3A_20 = arith.constant 4 : i32
      %scan3A_21 = arith.addi %scan3A_19, %scan3A_20 : i32
      %scan3A_22 = arith.constant 1 : i32
      %scan3A_23 = scf.for %scan3A_42 = %scan3A_19 to %scan3A_21 step %scan3A_22 iter_args(%scan3A_43 = %scan3A_18) -> (i32)  : i32 {
        %mul3A_44 = arith.constant 32768 : i32
        %mul3A_45 = arith.muli %arg1, %mul3A_44 : i32
        %mul3A_46 = arith.constant 8192 : i32
        %mul3A_47 = arith.muli %scan3A_42, %mul3A_46 : i32
        %add3A_48 = arith.addi %mul3A_45, %mul3A_47 : i32
        "tpu.region"() ({
          %run_scoped3A = tpu.sem_alloc : memref<!tpu.dma_semaphore, #tpu.memory_space<semaphore_mem>>
          %dma_start3A = tpu.memref_slice %arg15[%add3A_48] : memref<532480xf32, #tpu.memory_space<vmem_shared>> -> memref<8192xf32, #tpu.memory_space<vmem_shared>>
          %dma_start3A_50 = tpu.memref_slice %arg15[%add3A_48] : memref<532480xf32, #tpu.memory_space<vmem_shared>> -> memref<8192xf32, #tpu.memory_space<vmem_shared>>
          tpu.enqueue_dma source(%arg14 : memref<8192xf32, #tpu.memory_space<vmem>>) target(%dma_start3A_50 : memref<8192xf32, #tpu.memory_space<vmem_shared>>) target_semaphore(%run_scoped3A : memref<!tpu.dma_semaphore, #tpu.memory_space<semaphore_mem>>)
          %dma_wait3A = tpu.memref_slice %arg15[%add3A_48] : memref<532480xf32, #tpu.memory_space<vmem_shared>> -> memref<8192xf32, #tpu.memory_space<vmem_shared>>
          %dma_wait3A_51 = tpu.memref_slice %arg15[%add3A_48] : memref<532480xf32, #tpu.memory_space<vmem_shared>> -> memref<8192xf32, #tpu.memory_space<vmem_shared>>
          tpu.wait_dma2 semaphore(%run_scoped3A : memref<!tpu.dma_semaphore, #tpu.memory_space<semaphore_mem>>) src(%arg14 : memref<8192xf32, #tpu.memory_space<vmem>>) dst(%dma_wait3A_51 : memref<8192xf32, #tpu.memory_space<vmem_shared>>)
          tpu.yield
        }) : () -> ()
        "tpu.region"() ({
          %run_scoped3A = tpu.sem_alloc : memref<!tpu.dma_semaphore, #tpu.memory_space<semaphore_mem>>
          %dma_start3A = tpu.memref_slice %arg16[%add3A_48] : memref<532480xf32, #tpu.memory_space<vmem_shared>> -> memref<8192xf32, #tpu.memory_space<vmem_shared>>
          %dma_start3A_50 = tpu.memref_slice %arg16[%add3A_48] : memref<532480xf32, #tpu.memory_space<vmem_shared>> -> memref<8192xf32, #tpu.memory_space<vmem_shared>>
          tpu.enqueue_dma source(%arg14 : memref<8192xf32, #tpu.memory_space<vmem>>) target(%dma_start3A_50 : memref<8192xf32, #tpu.memory_space<vmem_shared>>) target_semaphore(%run_scoped3A : memref<!tpu.dma_semaphore, #tpu.memory_space<semaphore_mem>>)
          %dma_wait3A = tpu.memref_slice %arg16[%add3A_48] : memref<532480xf32, #tpu.memory_space<vmem_shared>> -> memref<8192xf32, #tpu.memory_space<vmem_shared>>
          %dma_wait3A_51 = tpu.memref_slice %arg16[%add3A_48] : memref<532480xf32, #tpu.memory_space<vmem_shared>> -> memref<8192xf32, #tpu.memory_space<vmem_shared>>
          tpu.wait_dma2 semaphore(%run_scoped3A : memref<!tpu.dma_semaphore, #tpu.memory_space<semaphore_mem>>) src(%arg14 : memref<8192xf32, #tpu.memory_space<vmem>>) dst(%dma_wait3A_51 : memref<8192xf32, #tpu.memory_space<vmem_shared>>)
          tpu.yield
        }) : () -> ()
        %scan3A_49 = arith.constant 0 : i32
        scf.yield %scan3A_49 : i32
      }
      %scan3A_24 = arith.constant 4 : i32
      %barrier3A = arith.constant 0 : index
      tpu.barrier barrier_id(%barrier3A)
      %scan3A_25 = arith.constant 0 : i32
      %scan3A_26 = arith.constant 0 : i32
      %scan3A_27 = arith.constant 28 : i32
      %scan3A_28 = arith.addi %scan3A_26, %scan3A_27 : i32
      %scan3A_29 = arith.constant 1 : i32
      %scan3A_30 = scf.for %scan3A_42 = %scan3A_26 to %scan3A_28 step %scan3A_29 iter_args(%scan3A_43 = %scan3A_25) -> (i32)  : i32 {
        %mul3A_44 = arith.constant 28 : i32
        %mul3A_45 = arith.muli %arg1, %mul3A_44 : i32
        %add3A_46 = arith.addi %mul3A_45, %scan3A_42 : i32
        %mul3A_47 = arith.constant 8192 : i32
        %mul3A_48 = arith.muli %add3A_46, %mul3A_47 : i32
        "tpu.region"() ({
          %run_scoped3A = tpu.sem_alloc : memref<!tpu.dma_semaphore, #tpu.memory_space<semaphore_mem>>
          %dma_start3A = tpu.memref_slice %arg2[%mul3A_48] : memref<3670016xi32, #tpu.memory_space<hbm>> -> memref<8192xi32, #tpu.memory_space<hbm>>
          %dma_start3A_85 = tpu.memref_slice %arg2[%mul3A_48] : memref<3670016xi32, #tpu.memory_space<hbm>> -> memref<8192xi32, #tpu.memory_space<hbm>>
          tpu.enqueue_dma source(%dma_start3A_85 : memref<8192xi32, #tpu.memory_space<hbm>>) target(%arg6 : memref<8192xi32, #tpu.memory_space<vmem>>) target_semaphore(%run_scoped3A : memref<!tpu.dma_semaphore, #tpu.memory_space<semaphore_mem>>)
          %dma_wait3A = tpu.memref_slice %arg2[%mul3A_48] : memref<3670016xi32, #tpu.memory_space<hbm>> -> memref<8192xi32, #tpu.memory_space<hbm>>
          %dma_wait3A_86 = tpu.memref_slice %arg2[%mul3A_48] : memref<3670016xi32, #tpu.memory_space<hbm>> -> memref<8192xi32, #tpu.memory_space<hbm>>
          tpu.wait_dma2 semaphore(%run_scoped3A : memref<!tpu.dma_semaphore, #tpu.memory_space<semaphore_mem>>) src(%dma_wait3A_86 : memref<8192xi32, #tpu.memory_space<hbm>>) dst(%arg6 : memref<8192xi32, #tpu.memory_space<vmem>>)
          tpu.yield
        }) : () -> ()
        %shift_right_arithmetic3A = arith.constant 3 : i32
        %shift_right_arithmetic3A_49 = arith.shrsi %add3A_46, %shift_right_arithmetic3A : i32
        %broadcast_in_dim3A = vector.broadcast %shift_right_arithmetic3A_49 : i32 to vector<16xi32>
        %convert_element_type3A = arith.sitofp %broadcast_in_dim3A : vector<16xi32> to vector<16xf32>
        %mul3A_50 = arith.constant 7.812500e-03 : f32
        %mul3A_51 = vector.broadcast %mul3A_50 : f32 to vector<16xf32>
        %mul3A_52 = arith.mulf %convert_element_type3A, %mul3A_51 : vector<16xf32>
        %sub3A = arith.constant 0.3046875 : f32
        %sub3A_53 = vector.broadcast %sub3A : f32 to vector<16xf32>
        %sub3A_54 = arith.subf %sub3A_53, %mul3A_52 : vector<16xf32>
        %div3A = arith.constant 0.3046875 : f32
        %div3A_55 = vector.broadcast %div3A : f32 to vector<16xf32>
        %div3A_56 = arith.divf %sub3A_54, %div3A_55 : vector<16xf32>
        %jit3A = arith.constant -1.000000e+00 : f32
        %jit3A_57 = arith.constant 1.000000e+00 : f32
        %max3A = vector.broadcast %jit3A : f32 to vector<16xf32>
        %max3A_58 = arith.maximumf %max3A, %div3A_56 : vector<16xf32>
        %min3A = vector.broadcast %jit3A_57 : f32 to vector<16xf32>
        %min3A_59 = arith.minimumf %min3A, %max3A_58 : vector<16xf32>
        %ge3A = arith.constant 0.000000e+00 : f32
        %ge3A_60 = vector.broadcast %ge3A : f32 to vector<16xf32>
        %ge3A_61 = arith.cmpf oge, %sub3A_54, %ge3A_60 : vector<16xf32>
        %div3A_62 = arith.constant 0.1015625 : f32
        %div3A_63 = vector.broadcast %div3A_62 : f32 to vector<16xf32>
        %div3A_64 = arith.divf %sub3A_54, %div3A_63 : vector<16xf32>
        %add3A_65 = arith.constant 1.000000e+00 : f32
        %add3A_66 = vector.broadcast %add3A_65 : f32 to vector<16xf32>
        %add3A_67 = arith.addf %add3A_66, %div3A_64 : vector<16xf32>
        %jit3A_68 = arith.constant 0.000000e+00 : f32
        %jit3A_69 = arith.constant 1.000000e+00 : f32
        %max3A_70 = vector.broadcast %jit3A_68 : f32 to vector<16xf32>
        %max3A_71 = arith.maximumf %max3A_70, %add3A_67 : vector<16xf32>
        %min3A_72 = vector.broadcast %jit3A_69 : f32 to vector<16xf32>
        %min3A_73 = arith.minimumf %min3A_72, %max3A_71 : vector<16xf32>
        %jit3A_74 = arith.constant 1.000000e+00 : f32
        %broadcast_in_dim3A_75 = vector.broadcast %jit3A_74 : f32 to vector<16xf32>
        %select_n3A = arith.select %ge3A_61, %broadcast_in_dim3A_75, %min3A_73 : vector<16xi1>, vector<16xf32>
        %mul3A_76 = arith.mulf %min3A_59, %select_n3A : vector<16xf32>
        %iota3A = tpu.iota {dimensions = array<i32: 0>} : vector<16xi32>
        %scan3A_77 = arith.constant 0 : i32
        %scan3A_78 = arith.constant 0 : i32
        %scan3A_79 = arith.constant 512 : i32
        %scan3A_80 = arith.addi %scan3A_78, %scan3A_79 : i32
        %scan3A_81 = arith.constant 1 : i32
        %scan3A_82 = scf.for %scan3A_85 = %scan3A_78 to %scan3A_80 step %scan3A_81 iter_args(%scan3A_86 = %scan3A_77) -> (i32)  : i32 {
          %mul3A_87 = arith.constant 16 : i32
          %mul3A_88 = arith.muli %scan3A_85, %mul3A_87 : i32
          %get3A = arith.index_cast %mul3A_88 : i32 to index
          %get3A_89 = tpu.vector_load %arg6[%get3A] {strides = array<i32>} : memref<8192xi32, #tpu.memory_space<vmem>>, vector<16xi32>,
          %get3A_90 = vector.shape_cast %get3A_89 : vector<16xi32> to vector<16xi32>
          %sub3A_91 = vector.broadcast %mul3A_17 : i32 to vector<16xi32>
          %sub3A_92 = arith.subi %get3A_90, %sub3A_91 : vector<16xi32>
          %ge3A_93 = arith.constant 0 : i32
          %ge3A_94 = vector.broadcast %ge3A_93 : i32 to vector<16xi32>
          %ge3A_95 = arith.cmpi sge, %sub3A_92, %ge3A_94 : vector<16xi32>
          %lt3A = arith.constant 524288 : i32
          %lt3A_96 = vector.broadcast %lt3A : i32 to vector<16xi32>
          %lt3A_97 = arith.cmpi slt, %sub3A_92, %lt3A_96 : vector<16xi32>
          %and3A = arith.andi %ge3A_95, %lt3A_97 : vector<16xi1>
          %mul3A_98 = arith.constant 16 : i32
          %mul3A_99 = arith.muli %scan3A_85, %mul3A_98 : i32
          %add3A_100 = arith.constant 524288 : i32
          %add3A_101 = arith.addi %add3A_100, %mul3A_99 : i32
          %add3A_102 = vector.broadcast %add3A_101 : i32 to vector<16xi32>
          %add3A_103 = arith.addi %add3A_102, %iota3A : vector<16xi32>
          %select_n3A_104 = arith.select %and3A, %sub3A_92, %add3A_103 : vector<16xi1>, vector<16xi32>
          %swap3A = arith.index_cast %mul3A_88 : i32 to index
          %swap3A_105 = tpu.vector_load %arg7[%swap3A] {strides = array<i32>} : memref<8192xi32, #tpu.memory_space<vmem>>, vector<16xi32>,
          %swap3A_106 = vector.shape_cast %swap3A_105 : vector<16xi32> to vector<16xi32>
          %swap3A_107 = vector.shape_cast %select_n3A_104 : vector<16xi32> to vector<16xi32>
          tpu.vector_store %arg7[%swap3A], %swap3A_107 {strides = array<i32>} : memref<8192xi32, #tpu.memory_space<vmem>>, vector<16xi32>,
          %jit3A_108 = arith.constant 0.000000e+00 : f32
          %broadcast_in_dim3A_109 = vector.broadcast %jit3A_108 : f32 to vector<16xf32>
          %select_n3A_110 = arith.select %and3A, %select_n3A, %broadcast_in_dim3A_109 : vector<16xi1>, vector<16xf32>
          %swap3A_111 = arith.index_cast %mul3A_88 : i32 to index
          %swap3A_112 = tpu.vector_load %arg8[%swap3A_111] {strides = array<i32>} : memref<8192xf32, #tpu.memory_space<vmem>>, vector<16xf32>,
          %swap3A_113 = vector.shape_cast %swap3A_112 : vector<16xf32> to vector<16xf32>
          %swap3A_114 = vector.shape_cast %select_n3A_110 : vector<16xf32> to vector<16xf32>
          tpu.vector_store %arg8[%swap3A_111], %swap3A_114 {strides = array<i32>} : memref<8192xf32, #tpu.memory_space<vmem>>, vector<16xf32>,
          %jit3A_115 = arith.constant 0.000000e+00 : f32
          %broadcast_in_dim3A_116 = vector.broadcast %jit3A_115 : f32 to vector<16xf32>
          %select_n3A_117 = arith.select %and3A, %mul3A_76, %broadcast_in_dim3A_116 : vector<16xi1>, vector<16xf32>
          %swap3A_118 = arith.index_cast %mul3A_88 : i32 to index
          %swap3A_119 = tpu.vector_load %arg9[%swap3A_118] {strides = array<i32>} : memref<8192xf32, #tpu.memory_space<vmem>>, vector<16xf32>,
          %swap3A_120 = vector.shape_cast %swap3A_119 : vector<16xf32> to vector<16xf32>
          %swap3A_121 = vector.shape_cast %select_n3A_117 : vector<16xf32> to vector<16xf32>
          tpu.vector_store %arg9[%swap3A_118], %swap3A_121 {strides = array<i32>} : memref<8192xf32, #tpu.memory_space<vmem>>, vector<16xf32>,
          %scan3A_122 = arith.constant 0 : i32
          scf.yield %scan3A_122 : i32
        }
        %scan3A_83 = arith.constant 512 : i32
        "tpu.region"() ({
          %run_scoped3A = tpu.sem_alloc : memref<!tpu.dma_semaphore, #tpu.memory_space<semaphore_mem>>
          %dma_start3A = arith.constant 0 : i32
          %dma_start3A_85 = tpu.memref_slice %arg15[%dma_start3A] : memref<532480xf32, #tpu.memory_space<vmem_shared>> -> memref<532480xf32, #tpu.memory_space<vmem_shared>>
          tpu.enqueue_indirect_dma source(%arg8 : memref<8192xf32, #tpu.memory_space<vmem>>) target(%dma_start3A_85 : memref<532480xf32, #tpu.memory_space<vmem_shared>>) offsets(%arg7 : memref<8192xi32, #tpu.memory_space<vmem>>) semaphore(%run_scoped3A : memref<!tpu.dma_semaphore, #tpu.memory_space<semaphore_mem>>) {add = true}
          %dma_wait3A = arith.constant 0 : i32
          %dma_wait3A_86 = tpu.memref_slice %arg15[%dma_wait3A] : memref<532480xf32, #tpu.memory_space<vmem_shared>> -> memref<532480xf32, #tpu.memory_space<vmem_shared>>
          tpu.wait_indirect_dma semaphore(%run_scoped3A : memref<!tpu.dma_semaphore, #tpu.memory_space<semaphore_mem>>) src(%arg8 : memref<8192xf32, #tpu.memory_space<vmem>>) dst(%dma_wait3A_86 : memref<532480xf32, #tpu.memory_space<vmem_shared>>)
          tpu.yield
        }) : () -> ()
        "tpu.region"() ({
          %run_scoped3A = tpu.sem_alloc : memref<!tpu.dma_semaphore, #tpu.memory_space<semaphore_mem>>
          %dma_start3A = arith.constant 0 : i32
          %dma_start3A_85 = tpu.memref_slice %arg16[%dma_start3A] : memref<532480xf32, #tpu.memory_space<vmem_shared>> -> memref<532480xf32, #tpu.memory_space<vmem_shared>>
          tpu.enqueue_indirect_dma source(%arg9 : memref<8192xf32, #tpu.memory_space<vmem>>) target(%dma_start3A_85 : memref<532480xf32, #tpu.memory_space<vmem_shared>>) offsets(%arg7 : memref<8192xi32, #tpu.memory_space<vmem>>) semaphore(%run_scoped3A : memref<!tpu.dma_semaphore, #tpu.memory_space<semaphore_mem>>) {add = true}
          %dma_wait3A = arith.constant 0 : i32
          %dma_wait3A_86 = tpu.memref_slice %arg16[%dma_wait3A] : memref<532480xf32, #tpu.memory_space<vmem_shared>> -> memref<532480xf32, #tpu.memory_space<vmem_shared>>
          tpu.wait_indirect_dma semaphore(%run_scoped3A : memref<!tpu.dma_semaphore, #tpu.memory_space<semaphore_mem>>) src(%arg9 : memref<8192xf32, #tpu.memory_space<vmem>>) dst(%dma_wait3A_86 : memref<532480xf32, #tpu.memory_space<vmem_shared>>)
          tpu.yield
        }) : () -> ()
        %scan3A_84 = arith.constant 0 : i32
        scf.yield %scan3A_84 : i32
      }
      %scan3A_31 = arith.constant 28 : i32
      %barrier3A_32 = arith.constant 0 : index
      tpu.barrier barrier_id(%barrier3A_32)
      %scan3A_33 = arith.constant 0 : i32
      %scan3A_34 = arith.constant 0 : i32
      %scan3A_35 = arith.constant 8 : i32
      %scan3A_36 = arith.addi %scan3A_34, %scan3A_35 : i32
      %scan3A_37 = arith.constant 1 : i32
      %scan3A_38 = scf.for %scan3A_42 = %scan3A_34 to %scan3A_36 step %scan3A_37 iter_args(%scan3A_43 = %scan3A_33) -> (i32)  : i32 {
        %mul3A_44 = arith.constant 32768 : i32
        %mul3A_45 = arith.muli %arg1, %mul3A_44 : i32
        %mul3A_46 = arith.constant 4096 : i32
        %mul3A_47 = arith.muli %scan3A_42, %mul3A_46 : i32
        %add3A_48 = arith.addi %mul3A_45, %mul3A_47 : i32
        %add3A_49 = arith.addi %mul3A_17, %add3A_48 : i32
        "tpu.region"() ({
          %run_scoped3A = tpu.sem_alloc : memref<!tpu.dma_semaphore, #tpu.memory_space<semaphore_mem>>
          %dma_start3A = tpu.memref_slice %arg15[%add3A_48] : memref<532480xf32, #tpu.memory_space<vmem_shared>> -> memref<4096xf32, #tpu.memory_space<vmem_shared>>
          %dma_start3A_60 = tpu.memref_slice %arg15[%add3A_48] : memref<532480xf32, #tpu.memory_space<vmem_shared>> -> memref<4096xf32, #tpu.memory_space<vmem_shared>>
          tpu.enqueue_dma source(%dma_start3A_60 : memref<4096xf32, #tpu.memory_space<vmem_shared>>) target(%arg10 : memref<4096xf32, #tpu.memory_space<vmem>>) target_semaphore(%run_scoped3A : memref<!tpu.dma_semaphore, #tpu.memory_space<semaphore_mem>>)
          %dma_wait3A = tpu.memref_slice %arg15[%add3A_48] : memref<532480xf32, #tpu.memory_space<vmem_shared>> -> memref<4096xf32, #tpu.memory_space<vmem_shared>>
          %dma_wait3A_61 = tpu.memref_slice %arg15[%add3A_48] : memref<532480xf32, #tpu.memory_space<vmem_shared>> -> memref<4096xf32, #tpu.memory_space<vmem_shared>>
          tpu.wait_dma2 semaphore(%run_scoped3A : memref<!tpu.dma_semaphore, #tpu.memory_space<semaphore_mem>>) src(%dma_wait3A_61 : memref<4096xf32, #tpu.memory_space<vmem_shared>>) dst(%arg10 : memref<4096xf32, #tpu.memory_space<vmem>>)
          tpu.yield
        }) : () -> ()
        "tpu.region"() ({
          %run_scoped3A = tpu.sem_alloc : memref<!tpu.dma_semaphore, #tpu.memory_space<semaphore_mem>>
          %dma_start3A = tpu.memref_slice %arg16[%add3A_48] : memref<532480xf32, #tpu.memory_space<vmem_shared>> -> memref<4096xf32, #tpu.memory_space<vmem_shared>>
          %dma_start3A_60 = tpu.memref_slice %arg16[%add3A_48] : memref<532480xf32, #tpu.memory_space<vmem_shared>> -> memref<4096xf32, #tpu.memory_space<vmem_shared>>
          tpu.enqueue_dma source(%dma_start3A_60 : memref<4096xf32, #tpu.memory_space<vmem_shared>>) target(%arg11 : memref<4096xf32, #tpu.memory_space<vmem>>) target_semaphore(%run_scoped3A : memref<!tpu.dma_semaphore, #tpu.memory_space<semaphore_mem>>)
          %dma_wait3A = tpu.memref_slice %arg16[%add3A_48] : memref<532480xf32, #tpu.memory_space<vmem_shared>> -> memref<4096xf32, #tpu.memory_space<vmem_shared>>
          %dma_wait3A_61 = tpu.memref_slice %arg16[%add3A_48] : memref<532480xf32, #tpu.memory_space<vmem_shared>> -> memref<4096xf32, #tpu.memory_space<vmem_shared>>
          tpu.wait_dma2 semaphore(%run_scoped3A : memref<!tpu.dma_semaphore, #tpu.memory_space<semaphore_mem>>) src(%dma_wait3A_61 : memref<4096xf32, #tpu.memory_space<vmem_shared>>) dst(%arg11 : memref<4096xf32, #tpu.memory_space<vmem>>)
          tpu.yield
        }) : () -> ()
        "tpu.region"() ({
          %run_scoped3A = tpu.sem_alloc : memref<!tpu.dma_semaphore, #tpu.memory_space<semaphore_mem>>
          %dma_start3A = tpu.memref_slice %arg4[%add3A_49] : memref<16777216xf32, #tpu.memory_space<hbm>> -> memref<4096xf32, #tpu.memory_space<hbm>>
          %dma_start3A_60 = tpu.memref_slice %arg4[%add3A_49] : memref<16777216xf32, #tpu.memory_space<hbm>> -> memref<4096xf32, #tpu.memory_space<hbm>>
          tpu.enqueue_dma source(%dma_start3A_60 : memref<4096xf32, #tpu.memory_space<hbm>>) target(%arg12 : memref<4096xf32, #tpu.memory_space<vmem>>) target_semaphore(%run_scoped3A : memref<!tpu.dma_semaphore, #tpu.memory_space<semaphore_mem>>)
          %dma_wait3A = tpu.memref_slice %arg4[%add3A_49] : memref<16777216xf32, #tpu.memory_space<hbm>> -> memref<4096xf32, #tpu.memory_space<hbm>>
          %dma_wait3A_61 = tpu.memref_slice %arg4[%add3A_49] : memref<16777216xf32, #tpu.memory_space<hbm>> -> memref<4096xf32, #tpu.memory_space<hbm>>
          tpu.wait_dma2 semaphore(%run_scoped3A : memref<!tpu.dma_semaphore, #tpu.memory_space<semaphore_mem>>) src(%dma_wait3A_61 : memref<4096xf32, #tpu.memory_space<hbm>>) dst(%arg12 : memref<4096xf32, #tpu.memory_space<vmem>>)
          tpu.yield
        }) : () -> ()
        "tpu.region"() ({
          %run_scoped3A = tpu.sem_alloc : memref<!tpu.dma_semaphore, #tpu.memory_space<semaphore_mem>>
          %dma_start3A = tpu.memref_slice %arg3[%add3A_49] : memref<16777216xf32, #tpu.memory_space<hbm>> -> memref<4096xf32, #tpu.memory_space<hbm>>
          %dma_start3A_60 = tpu.memref_slice %arg3[%add3A_49] : memref<16777216xf32, #tpu.memory_space<hbm>> -> memref<4096xf32, #tpu.memory_space<hbm>>
          tpu.enqueue_dma source(%dma_start3A_60 : memref<4096xf32, #tpu.memory_space<hbm>>) target(%arg13 : memref<4096xf32, #tpu.memory_space<vmem>>) target_semaphore(%run_scoped3A : memref<!tpu.dma_semaphore, #tpu.memory_space<semaphore_mem>>)
          %dma_wait3A = tpu.memref_slice %arg3[%add3A_49] : memref<16777216xf32, #tpu.memory_space<hbm>> -> memref<4096xf32, #tpu.memory_space<hbm>>
          %dma_wait3A_61 = tpu.memref_slice %arg3[%add3A_49] : memref<16777216xf32, #tpu.memory_space<hbm>> -> memref<4096xf32, #tpu.memory_space<hbm>>
          tpu.wait_dma2 semaphore(%run_scoped3A : memref<!tpu.dma_semaphore, #tpu.memory_space<semaphore_mem>>) src(%dma_wait3A_61 : memref<4096xf32, #tpu.memory_space<hbm>>) dst(%arg13 : memref<4096xf32, #tpu.memory_space<vmem>>)
          tpu.yield
        }) : () -> ()
        %scan3A_50 = arith.constant 0 : i32
        %scan3A_51 = arith.constant 0 : i32
        %scan3A_52 = arith.constant 256 : i32
        %scan3A_53 = arith.addi %scan3A_51, %scan3A_52 : i32
        %scan3A_54 = arith.constant 1 : i32
        %scan3A_55 = scf.for %scan3A_60 = %scan3A_51 to %scan3A_53 step %scan3A_54 iter_args(%scan3A_61 = %scan3A_50) -> (i32)  : i32 {
          %mul3A_62 = arith.constant 16 : i32
          %mul3A_63 = arith.muli %scan3A_60, %mul3A_62 : i32
          %get3A = arith.index_cast %mul3A_63 : i32 to index
          %get3A_64 = tpu.vector_load %arg10[%get3A] {strides = array<i32>} : memref<4096xf32, #tpu.memory_space<vmem>>, vector<16xf32>,
          %get3A_65 = vector.shape_cast %get3A_64 : vector<16xf32> to vector<16xf32>
          %get3A_66 = arith.index_cast %mul3A_63 : i32 to index
          %get3A_67 = tpu.vector_load %arg11[%get3A_66] {strides = array<i32>} : memref<4096xf32, #tpu.memory_space<vmem>>, vector<16xf32>,
          %get3A_68 = vector.shape_cast %get3A_67 : vector<16xf32> to vector<16xf32>
          %get3A_69 = arith.index_cast %mul3A_63 : i32 to index
          %get3A_70 = tpu.vector_load %arg12[%get3A_69] {strides = array<i32>} : memref<4096xf32, #tpu.memory_space<vmem>>, vector<16xf32>,
          %get3A_71 = vector.shape_cast %get3A_70 : vector<16xf32> to vector<16xf32>
          %get3A_72 = arith.index_cast %mul3A_63 : i32 to index
          %get3A_73 = tpu.vector_load %arg13[%get3A_72] {strides = array<i32>} : memref<4096xf32, #tpu.memory_space<vmem>>, vector<16xf32>,
          %get3A_74 = vector.shape_cast %get3A_73 : vector<16xf32> to vector<16xf32>
          %add3A_75 = arith.addf %get3A_71, %get3A_65 : vector<16xf32>
          %gt3A = arith.constant 0.000000e+00 : f32
          %gt3A_76 = vector.broadcast %gt3A : f32 to vector<16xf32>
          %gt3A_77 = arith.cmpf ogt, %add3A_75, %gt3A_76 : vector<16xf32>
          %mul3A_78 = arith.mulf %get3A_74, %get3A_71 : vector<16xf32>
          %add3A_79 = arith.addf %mul3A_78, %get3A_68 : vector<16xf32>
          %max3A = arith.constant 9.99999993E-9 : f32
          %max3A_80 = vector.broadcast %max3A : f32 to vector<16xf32>
          %max3A_81 = arith.maximumf %add3A_75, %max3A_80 : vector<16xf32>
          %div3A = arith.divf %add3A_79, %max3A_81 : vector<16xf32>
          %select_n3A = arith.select %gt3A_77, %div3A, %get3A_74 : vector<16xi1>, vector<16xf32>
          %swap3A = arith.index_cast %mul3A_63 : i32 to index
          %swap3A_82 = tpu.vector_load %arg10[%swap3A] {strides = array<i32>} : memref<4096xf32, #tpu.memory_space<vmem>>, vector<16xf32>,
          %swap3A_83 = vector.shape_cast %swap3A_82 : vector<16xf32> to vector<16xf32>
          %swap3A_84 = vector.shape_cast %add3A_75 : vector<16xf32> to vector<16xf32>
          tpu.vector_store %arg10[%swap3A], %swap3A_84 {strides = array<i32>} : memref<4096xf32, #tpu.memory_space<vmem>>, vector<16xf32>,
          %swap3A_85 = arith.index_cast %mul3A_63 : i32 to index
          %swap3A_86 = tpu.vector_load %arg11[%swap3A_85] {strides = array<i32>} : memref<4096xf32, #tpu.memory_space<vmem>>, vector<16xf32>,
          %swap3A_87 = vector.shape_cast %swap3A_86 : vector<16xf32> to vector<16xf32>
          %swap3A_88 = vector.shape_cast %select_n3A : vector<16xf32> to vector<16xf32>
          tpu.vector_store %arg11[%swap3A_85], %swap3A_88 {strides = array<i32>} : memref<4096xf32, #tpu.memory_space<vmem>>, vector<16xf32>,
          %scan3A_89 = arith.constant 0 : i32
          scf.yield %scan3A_89 : i32
        }
        %scan3A_56 = arith.constant 256 : i32
        "tpu.region"() ({
          %run_scoped3A = tpu.sem_alloc : memref<!tpu.dma_semaphore, #tpu.memory_space<semaphore_mem>>
          %dma_start3A = tpu.memref_slice %arg5[%add3A_49] : memref<33554432xf32, #tpu.memory_space<hbm>> -> memref<4096xf32, #tpu.memory_space<hbm>>
          %dma_start3A_60 = tpu.memref_slice %arg5[%add3A_49] : memref<33554432xf32, #tpu.memory_space<hbm>> -> memref<4096xf32, #tpu.memory_space<hbm>>
          tpu.enqueue_dma source(%arg11 : memref<4096xf32, #tpu.memory_space<vmem>>) target(%dma_start3A_60 : memref<4096xf32, #tpu.memory_space<hbm>>) target_semaphore(%run_scoped3A : memref<!tpu.dma_semaphore, #tpu.memory_space<semaphore_mem>>)
          %dma_wait3A = tpu.memref_slice %arg5[%add3A_49] : memref<33554432xf32, #tpu.memory_space<hbm>> -> memref<4096xf32, #tpu.memory_space<hbm>>
          %dma_wait3A_61 = tpu.memref_slice %arg5[%add3A_49] : memref<33554432xf32, #tpu.memory_space<hbm>> -> memref<4096xf32, #tpu.memory_space<hbm>>
          tpu.wait_dma2 semaphore(%run_scoped3A : memref<!tpu.dma_semaphore, #tpu.memory_space<semaphore_mem>>) src(%arg11 : memref<4096xf32, #tpu.memory_space<vmem>>) dst(%dma_wait3A_61 : memref<4096xf32, #tpu.memory_space<hbm>>)
          tpu.yield
        }) : () -> ()
        %add3A_57 = arith.constant 16777216 : i32
        %add3A_58 = arith.addi %add3A_57, %add3A_49 : i32
        "tpu.region"() ({
          %run_scoped3A = tpu.sem_alloc : memref<!tpu.dma_semaphore, #tpu.memory_space<semaphore_mem>>
          %dma_start3A = tpu.memref_slice %arg5[%add3A_58] : memref<33554432xf32, #tpu.memory_space<hbm>> -> memref<4096xf32, #tpu.memory_space<hbm>>
          %dma_start3A_60 = tpu.memref_slice %arg5[%add3A_58] : memref<33554432xf32, #tpu.memory_space<hbm>> -> memref<4096xf32, #tpu.memory_space<hbm>>
          tpu.enqueue_dma source(%arg10 : memref<4096xf32, #tpu.memory_space<vmem>>) target(%dma_start3A_60 : memref<4096xf32, #tpu.memory_space<hbm>>) target_semaphore(%run_scoped3A : memref<!tpu.dma_semaphore, #tpu.memory_space<semaphore_mem>>)
          %dma_wait3A = tpu.memref_slice %arg5[%add3A_58] : memref<33554432xf32, #tpu.memory_space<hbm>> -> memref<4096xf32, #tpu.memory_space<hbm>>
          %dma_wait3A_61 = tpu.memref_slice %arg5[%add3A_58] : memref<33554432xf32, #tpu.memory_space<hbm>> -> memref<4096xf32, #tpu.memory_space<hbm>>
          tpu.wait_dma2 semaphore(%run_scoped3A : memref<!tpu.dma_semaphore, #tpu.memory_space<semaphore_mem>>) src(%arg10 : memref<4096xf32, #tpu.memory_space<vmem>>) dst(%dma_wait3A_61 : memref<4096xf32, #tpu.memory_space<hbm>>)
          tpu.yield
        }) : () -> ()
        %scan3A_59 = arith.constant 0 : i32
        scf.yield %scan3A_59 : i32
      }
      %scan3A_39 = arith.constant 8 : i32
      %barrier3A_40 = arith.constant 0 : index
      tpu.barrier barrier_id(%barrier3A_40)
      %scan3A_41 = arith.constant 0 : i32
      scf.yield %scan3A_41 : i32
    }
    %scan3A_12 = arith.constant 16 : i32
    return
  }
}

module attributes {stable_mosaic.version = 14 : i64} {
  func.func @_precompute_body(%arg0: i32, %arg1: memref<3x4096xf32, #tpu.memory_space<vmem>>, %arg2: memref<3x4096xf32, #tpu.memory_space<vmem>>, %arg3: memref<1x4096xf32, #tpu.memory_space<vmem>>, %arg4: memref<56x4096xi32, #tpu.memory_space<vmem>>) attributes {dimension_semantics = [#tpu.dimension_semantics<arbitrary>], iteration_bounds = array<i64: 16>, scalar_prefetch = 0 : i64, scratch_operands = 0 : i64, tpu.core_type = #tpu.core_type<tc>, window_params = [{transform_indices = @transform_0, window_bounds = array<i64: 3, 4096>}, {transform_indices = @transform_1, window_bounds = array<i64: 3, 4096>}, {transform_indices = @transform_2, window_bounds = array<i64: 1, 4096>}, {transform_indices = @transform_3, window_bounds = array<i64: 56, 4096>}]} {
    %get3A = arith.constant 0 : index
    %get3A_0 = arith.constant 0 : index
    %get3A_1 = vector.load %arg1[%get3A, %get3A_0] : memref<3x4096xf32, #tpu.memory_space<vmem>>, vector<1x4096xf32>
    %get3A_2 = arith.constant 1 : index
    %get3A_3 = arith.constant 0 : index
    %get3A_4 = vector.load %arg1[%get3A_2, %get3A_3] : memref<3x4096xf32, #tpu.memory_space<vmem>>, vector<1x4096xf32>
    %get3A_5 = arith.constant 2 : index
    %get3A_6 = arith.constant 0 : index
    %get3A_7 = vector.load %arg1[%get3A_5, %get3A_6] : memref<3x4096xf32, #tpu.memory_space<vmem>>, vector<1x4096xf32>
    %get3A_8 = arith.constant 0 : index
    %get3A_9 = arith.constant 0 : index
    %get3A_10 = vector.load %arg2[%get3A_8, %get3A_9] : memref<3x4096xf32, #tpu.memory_space<vmem>>, vector<1x4096xf32>
    %get3A_11 = arith.constant 1 : index
    %get3A_12 = arith.constant 0 : index
    %get3A_13 = vector.load %arg2[%get3A_11, %get3A_12] : memref<3x4096xf32, #tpu.memory_space<vmem>>, vector<1x4096xf32>
    %get3A_14 = arith.constant 2 : index
    %get3A_15 = arith.constant 0 : index
    %get3A_16 = vector.load %arg2[%get3A_14, %get3A_15] : memref<3x4096xf32, #tpu.memory_space<vmem>>, vector<1x4096xf32>
    %get3A_17 = arith.constant 0 : index
    %get3A_18 = arith.constant 0 : index
    %get3A_19 = vector.load %arg3[%get3A_17, %get3A_18] : memref<1x4096xf32, #tpu.memory_space<vmem>>, vector<1x4096xf32>
    %mul3A = arith.mulf %get3A_10, %get3A_10 : vector<1x4096xf32>
    %mul3A_20 = arith.mulf %get3A_13, %get3A_13 : vector<1x4096xf32>
    %add3A = arith.addf %mul3A, %mul3A_20 : vector<1x4096xf32>
    %mul3A_21 = arith.mulf %get3A_16, %get3A_16 : vector<1x4096xf32>
    %add3A_22 = arith.addf %add3A, %mul3A_21 : vector<1x4096xf32>
    %sqrt3A = math.sqrt %add3A_22 : vector<1x4096xf32>
    %add3A_23 = arith.constant 9.99999993E-9 : f32
    %add3A_24 = vector.broadcast %add3A_23 : f32 to vector<1x4096xf32>
    %add3A_25 = arith.addf %sqrt3A, %add3A_24 : vector<1x4096xf32>
    %div3A = arith.constant 1.000000e+00 : f32
    %div3A_26 = vector.broadcast %div3A : f32 to vector<1x4096xf32>
    %div3A_27 = arith.divf %div3A_26, %add3A_25 : vector<1x4096xf32>
    %mul3A_28 = arith.mulf %get3A_10, %div3A_27 : vector<1x4096xf32>
    %mul3A_29 = arith.mulf %get3A_13, %div3A_27 : vector<1x4096xf32>
    %mul3A_30 = arith.mulf %get3A_16, %div3A_27 : vector<1x4096xf32>
    %iota3A = tpu.iota {dimensions = array<i32: 0>} : vector<56x1xi32>
    %sub3A = arith.constant 0.3046875 : f32
    %sub3A_31 = vector.broadcast %sub3A : f32 to vector<1x4096xf32>
    %sub3A_32 = arith.subf %get3A_19, %sub3A_31 : vector<1x4096xf32>
    %convert_element_type3A = arith.sitofp %iota3A : vector<56x1xi32> to vector<56x1xf32>
    %mul3A_33 = arith.constant 7.812500e-03 : f32
    %mul3A_34 = vector.broadcast %mul3A_33 : f32 to vector<56x1xf32>
    %mul3A_35 = arith.mulf %convert_element_type3A, %mul3A_34 : vector<56x1xf32>
    %add3A_36 = vector.broadcast %sub3A_32 : vector<1x4096xf32> to vector<56x4096xf32>
    %add3A_37 = vector.broadcast %mul3A_35 : vector<56x1xf32> to vector<56x4096xf32>
    %add3A_38 = arith.addf %add3A_36, %add3A_37 : vector<56x4096xf32>
    %mul3A_39 = vector.broadcast %mul3A_28 : vector<1x4096xf32> to vector<56x4096xf32>
    %mul3A_40 = arith.mulf %add3A_38, %mul3A_39 : vector<56x4096xf32>
    %add3A_41 = vector.broadcast %get3A_1 : vector<1x4096xf32> to vector<56x4096xf32>
    %add3A_42 = arith.addf %add3A_41, %mul3A_40 : vector<56x4096xf32>
    %mul3A_43 = vector.broadcast %mul3A_29 : vector<1x4096xf32> to vector<56x4096xf32>
    %mul3A_44 = arith.mulf %add3A_38, %mul3A_43 : vector<56x4096xf32>
    %add3A_45 = vector.broadcast %get3A_4 : vector<1x4096xf32> to vector<56x4096xf32>
    %add3A_46 = arith.addf %add3A_45, %mul3A_44 : vector<56x4096xf32>
    %mul3A_47 = vector.broadcast %mul3A_30 : vector<1x4096xf32> to vector<56x4096xf32>
    %mul3A_48 = arith.mulf %add3A_38, %mul3A_47 : vector<56x4096xf32>
    %add3A_49 = vector.broadcast %get3A_7 : vector<1x4096xf32> to vector<56x4096xf32>
    %add3A_50 = arith.addf %add3A_49, %mul3A_48 : vector<56x4096xf32>
    %gt3A = arith.constant -1.000000e+00 : f32
    %gt3A_51 = vector.broadcast %gt3A : f32 to vector<56x4096xf32>
    %gt3A_52 = arith.cmpf ogt, %add3A_42, %gt3A_51 : vector<56x4096xf32>
    %lt3A = arith.constant 1.000000e+00 : f32
    %lt3A_53 = vector.broadcast %lt3A : f32 to vector<56x4096xf32>
    %lt3A_54 = arith.cmpf olt, %add3A_42, %lt3A_53 : vector<56x4096xf32>
    %and3A = arith.andi %gt3A_52, %lt3A_54 : vector<56x4096xi1>
    %gt3A_55 = arith.constant -1.000000e+00 : f32
    %gt3A_56 = vector.broadcast %gt3A_55 : f32 to vector<56x4096xf32>
    %gt3A_57 = arith.cmpf ogt, %add3A_46, %gt3A_56 : vector<56x4096xf32>
    %and3A_58 = arith.andi %and3A, %gt3A_57 : vector<56x4096xi1>
    %lt3A_59 = arith.constant 1.000000e+00 : f32
    %lt3A_60 = vector.broadcast %lt3A_59 : f32 to vector<56x4096xf32>
    %lt3A_61 = arith.cmpf olt, %add3A_46, %lt3A_60 : vector<56x4096xf32>
    %and3A_62 = arith.andi %and3A_58, %lt3A_61 : vector<56x4096xi1>
    %gt3A_63 = arith.constant -1.000000e+00 : f32
    %gt3A_64 = vector.broadcast %gt3A_63 : f32 to vector<56x4096xf32>
    %gt3A_65 = arith.cmpf ogt, %add3A_50, %gt3A_64 : vector<56x4096xf32>
    %and3A_66 = arith.andi %and3A_62, %gt3A_65 : vector<56x4096xi1>
    %lt3A_67 = arith.constant 1.000000e+00 : f32
    %lt3A_68 = vector.broadcast %lt3A_67 : f32 to vector<56x4096xf32>
    %lt3A_69 = arith.cmpf olt, %add3A_50, %lt3A_68 : vector<56x4096xf32>
    %and3A_70 = arith.andi %and3A_66, %lt3A_69 : vector<56x4096xi1>
    %lt3A_71 = arith.constant 52 : i32
    %lt3A_72 = vector.broadcast %lt3A_71 : i32 to vector<56x1xi32>
    %lt3A_73 = arith.cmpi slt, %iota3A, %lt3A_72 : vector<56x1xi32>
    %and3A_74 = vector.broadcast %lt3A_73 : vector<56x1xi1> to vector<56x4096xi1>
    %and3A_75 = arith.andi %and3A_70, %and3A_74 : vector<56x4096xi1>
    %add3A_76 = arith.constant 1.000000e+00 : f32
    %add3A_77 = vector.broadcast %add3A_76 : f32 to vector<56x4096xf32>
    %add3A_78 = arith.addf %add3A_42, %add3A_77 : vector<56x4096xf32>
    %div3A_79 = arith.constant 7.812500e-03 : f32
    %div3A_80 = vector.broadcast %div3A_79 : f32 to vector<56x4096xf32>
    %div3A_81 = arith.divf %add3A_78, %div3A_80 : vector<56x4096xf32>
    %floor3A = math.floor %div3A_81 : vector<56x4096xf32>
    %convert_element_type3A_82 = arith.fptosi %floor3A : vector<56x4096xf32> to vector<56x4096xi32>
    %jit3A = arith.constant 0 : i32
    %jit3A_83 = arith.constant 255 : i32
    %max3A = vector.broadcast %jit3A : i32 to vector<56x4096xi32>
    %max3A_84 = arith.maxsi %max3A, %convert_element_type3A_82 : vector<56x4096xi32>
    %min3A = vector.broadcast %jit3A_83 : i32 to vector<56x4096xi32>
    %min3A_85 = arith.minsi %min3A, %max3A_84 : vector<56x4096xi32>
    %add3A_86 = arith.constant 1.000000e+00 : f32
    %add3A_87 = vector.broadcast %add3A_86 : f32 to vector<56x4096xf32>
    %add3A_88 = arith.addf %add3A_46, %add3A_87 : vector<56x4096xf32>
    %div3A_89 = arith.constant 7.812500e-03 : f32
    %div3A_90 = vector.broadcast %div3A_89 : f32 to vector<56x4096xf32>
    %div3A_91 = arith.divf %add3A_88, %div3A_90 : vector<56x4096xf32>
    %floor3A_92 = math.floor %div3A_91 : vector<56x4096xf32>
    %convert_element_type3A_93 = arith.fptosi %floor3A_92 : vector<56x4096xf32> to vector<56x4096xi32>
    %jit3A_94 = arith.constant 0 : i32
    %jit3A_95 = arith.constant 255 : i32
    %max3A_96 = vector.broadcast %jit3A_94 : i32 to vector<56x4096xi32>
    %max3A_97 = arith.maxsi %max3A_96, %convert_element_type3A_93 : vector<56x4096xi32>
    %min3A_98 = vector.broadcast %jit3A_95 : i32 to vector<56x4096xi32>
    %min3A_99 = arith.minsi %min3A_98, %max3A_97 : vector<56x4096xi32>
    %add3A_100 = arith.constant 1.000000e+00 : f32
    %add3A_101 = vector.broadcast %add3A_100 : f32 to vector<56x4096xf32>
    %add3A_102 = arith.addf %add3A_50, %add3A_101 : vector<56x4096xf32>
    %div3A_103 = arith.constant 7.812500e-03 : f32
    %div3A_104 = vector.broadcast %div3A_103 : f32 to vector<56x4096xf32>
    %div3A_105 = arith.divf %add3A_102, %div3A_104 : vector<56x4096xf32>
    %floor3A_106 = math.floor %div3A_105 : vector<56x4096xf32>
    %convert_element_type3A_107 = arith.fptosi %floor3A_106 : vector<56x4096xf32> to vector<56x4096xi32>
    %jit3A_108 = arith.constant 0 : i32
    %jit3A_109 = arith.constant 255 : i32
    %max3A_110 = vector.broadcast %jit3A_108 : i32 to vector<56x4096xi32>
    %max3A_111 = arith.maxsi %max3A_110, %convert_element_type3A_107 : vector<56x4096xi32>
    %min3A_112 = vector.broadcast %jit3A_109 : i32 to vector<56x4096xi32>
    %min3A_113 = arith.minsi %min3A_112, %max3A_111 : vector<56x4096xi32>
    %mul3A_114 = arith.constant 256 : i32
    %mul3A_115 = vector.broadcast %mul3A_114 : i32 to vector<56x4096xi32>
    %mul3A_116 = arith.muli %min3A_85, %mul3A_115 : vector<56x4096xi32>
    %add3A_117 = arith.addi %mul3A_116, %min3A_99 : vector<56x4096xi32>
    %mul3A_118 = arith.constant 256 : i32
    %mul3A_119 = vector.broadcast %mul3A_118 : i32 to vector<56x4096xi32>
    %mul3A_120 = arith.muli %add3A_117, %mul3A_119 : vector<56x4096xi32>
    %add3A_121 = arith.addi %mul3A_120, %min3A_113 : vector<56x4096xi32>
    %jit3A_122 = arith.constant 1073741823 : i32
    %broadcast_in_dim3A = vector.broadcast %jit3A_122 : i32 to vector<56x4096xi32>
    %select_n3A = arith.select %and3A_75, %add3A_121, %broadcast_in_dim3A : vector<56x4096xi1>, vector<56x4096xi32>
    %swap3A = arith.constant 0 : index
    %swap3A_123 = arith.constant 0 : index
    %swap3A_124 = vector.load %arg4[%swap3A, %swap3A_123] : memref<56x4096xi32, #tpu.memory_space<vmem>>, vector<56x4096xi32>
    tpu.vector_store %arg4[%swap3A, %swap3A_123], %select_n3A {strides = array<i32>} : memref<56x4096xi32, #tpu.memory_space<vmem>>, vector<56x4096xi32>,
    return
  }
  func.func @transform_0(%arg0: i32) -> (i32, i32) {
    %c0_i32 = arith.constant 0 : i32
    %c0_i32_0 = arith.constant 0 : i32
    return %c0_i32, %arg0 : i32, i32
  }
  func.func @transform_1(%arg0: i32) -> (i32, i32) {
    %c0_i32 = arith.constant 0 : i32
    %c0_i32_0 = arith.constant 0 : i32
    return %c0_i32, %arg0 : i32, i32
  }
  func.func @transform_2(%arg0: i32) -> (i32, i32) {
    %c0_i32 = arith.constant 0 : i32
    %c0_i32_0 = arith.constant 0 : i32
    return %c0_i32, %arg0 : i32, i32
  }
  func.func @transform_3(%arg0: i32) -> (i32, i32) {
    %c0_i32 = arith.constant 0 : i32
    %c0_i32_0 = arith.constant 0 : i32
    return %c0_i32, %arg0 : i32, i32
  }
}

</mosaic_0001>

<sc_bundles>
// kernel: kernel.4.cloned.1.call-start
scs
__scs_entry_jumppad:
0x0: {  	(pc) =	sbr.rel $0x88, $3  }
0x1: {  	(tag) =	ssettag $0x0;
	lr =	simm.s32 $0x1  }
0x2: {  	[smem:$0x3F9C] =	sst lr;
	_ =	strace $0xD0000000  }
0x3: {  	_ = 	snop  }
0x4: {  	_ = 	snop  }
0x5: {  	_ = 	snop  }
0x6: {  	_ = 	snop  }
0x7: {  	_ = 	snop  }
__scs_overlays_trampoline_lowered:
0x8: {  	[smem:$0x3FAB] =	sst s0  }
0x9: {  	[smem:$0x3FAC] =	sst s1  }
0xa: {  	[smem:$0x3FAD] =	sst s2  }
0xb: {  	[smem:$0x3FAE] =	sst s3  }
0xc: {  	[smem:$0x3FAF] =	sst s4  }
0xd: {  	[smem:$0x3FB0] =	sst s5  }
0xe: {  	[smem:$0x3FB1] =	sst s6  }
0xf: {  	[smem:$0x3FB2] =	sst s7  }
0x10: {  	[smem:$0x3FB3] =	sst s8  }
0x11: {  	[smem:$0x3FB4] =	sst s9;
	s0 =	simm.s32 @!p0 $0x0  }
0x12: {  	s1 =	sld [smem:$0x3F9A];
	s0 =	simm.s32 @p0 $0x1  }
0x13: {  	[smem:$0x3FB5] =	sst s0;
	s0 =	simm.s32 @!p1 $0x0  }
0x14: {  	s2 =	sld [smem:$0x3F99];
	s0 =	simm.s32 @p1 $0x1  }
0x15: {  	[smem:$0x3FB6] =	sst s0;
	s0 =	simm.s32 @!p2 $0x0  }
0x16: {  	s3 =	sld [smem:$0x3FDB];
	s0 =	simm.s32 @p2 $0x1  }
0x17: {  	s4 =	simm.s32 $0x1BF5;
	[smem:$0x3FB8] =	sst s0  }
0x18: {  	s0 =	sld [smem:$0x3F9B];
	_ =	swait.ge [sflag:s4], $0x0  }
0x19: {  	s7 =	sld [smem:$0x3F9C]  }
0x1a: {  	s8 =	sadd.s32 $0xFFFFE003, lr  }
0x1b: {  	s9 =	sadd.s32 $0xFFFFFEF7, lr;
	s5 =	simm.s32 $0xFFFFFFFF;
	p2 =	slt.u32 s8, $0xFFFFF086  }
0x1c: {  	p1 =	slt.u32 s9, $0xF7A;
	s5 =	simm.s32 @!p2 $0x0  }
0x1d: {  	s5 =	simm.s32 @p1 $0x1;
	p0 =	seq.s32 s7, s2  }
0x1e: {  	s7 =	smul.u32 @!p0 $0xF7A, s2;
	p2 =	seq.s32 @!p0 s5, $0x0  }
0x1f: {  	s9 =	smul.u32 $0xF7A, s1;
	s8 =	simm.s32 @!p0 $0x1BF5;
	p2 =	por !p2, p0  }
0x20: {  	[sflag:s8] =	ssyncset.s32 @!p0 $0xFFFFF086;
	s6 =	sadd.s32 @!p0 s3, s7;
	s7 =	simm.s32 @!p0 $0x108  }
0x21: {  	s3 =	sadd.s32 s3, s9;
	s6 =	sadd.s32 @!p0 $0x88, s6;
	s7 =	simm.s32 @p2 $0x1082  }
0x22: {  	[simem:s7], [sflag:s8] =	dma.local @!p0 [hbm:s6], $0xF7A  }
0x23: {  	s9 =	sor.u32 $0xD0000000, s2;
	s6 =	simm.s32 $0x108;
	_ =	swait.ge @!p0 [sflag:s8], $0x0  }
0x24: {  	s3 =	sadd.s32 $0x88, s3;
	s6 =	simm.s32 @!p1 $0x1082;
	[sflag:s4] =	ssyncset.s32 $0xFFFFF086  }
0x25: {  	[simem:s6], [sflag:s4] =	dma.local [hbm:s3], $0xF7A  }
0x26: {  	[smem:$0x3F9C] =	sst s1;
	(tag) =	ssettag s2;
	_ =	strace s9  }
0x27: {  	s1 =	sld [smem:$0x3FAC]  }
0x28: {  	s2 =	sld [smem:$0x3FAD]  }
0x29: {  	s4 =	sld [smem:$0x3FAF]  }
0x2a: {  	p0 =	seq.s32 s5, $0x0;
	s5 =	sld [smem:$0x3FB0]  }
0x2b: {  	s6 =	sld [smem:$0x3FB1]  }
0x2c: {  	s7 =	sld [smem:$0x3FB2]  }
0x2d: {  	s3 =	simm.s32 $0x108;
	s8 =	sld [smem:$0x3FB3]  }
0x2e: {  	s3 =	simm.s32 @!p0 $0x1082;
	s9 =	sld [smem:$0x3FB4]  }
0x2f: {  	lr =	sadd.s32 s0, s3;
	s0 =	sld [smem:$0x3FAB]  }
0x30: {  	s3 =	sld [smem:$0x3FAE]  }
0x31: {  	[smem:$0x3FB7] =	sst s10  }
0x32: {  	s10 =	sld [smem:$0x3FB5];
	_ =	sdelay $0x3  }
0x33: {  	p0 =	seq.s32 s10, $0x1;
	s10 =	sld [smem:$0x3FB7];
	_ =	sdelay $0x3  }
0x34: {  	[smem:$0x3FB7] =	sst s10  }
0x35: {  	s10 =	sld [smem:$0x3FB6];
	_ =	sdelay $0x3  }
0x36: {  	p1 =	seq.s32 s10, $0x1;
	s10 =	sld [smem:$0x3FB7];
	_ =	sdelay $0x3  }
0x37: {  	[smem:$0x3FB7] =	sst s10  }
0x38: {  	s10 =	sld [smem:$0x3FB8]  }
0x39: {  	_ = 	snop;
	(pc) =	sbr.ind lr, $3  }
0x3a: {  	_ = 	snop  }
0x3b: {  	_ = 	snop  }
0x3c: {  	p2 =	seq.s32 s10, $0x1;
	s10 =	sld [smem:$0x3FB7]  }
0x3d: {  	_ =	shalt  }
0x3e: {  	_ =	shalt  }
0x3f: {  	_ =	shalt  }
0x40: {  	_ =	shalt  }
0x41: {  	_ =	shalt  }
0x42: {  	_ =	shalt  }
0x43: {  	_ =	shalt  }
0x44: {  	_ =	shalt  }
0x45: {  	_ =	shalt  }
0x46: {  	_ =	shalt  }
0x47: {  	_ =	shalt  }
0x48: {  	_ =	shalt  }
0x49: {  	_ =	shalt  }
0x4a: {  	_ =	shalt  }
0x4b: {  	_ =	shalt  }
0x4c: {  	_ =	shalt  }
0x4d: {  	_ =	shalt  }
0x4e: {  	_ =	shalt  }
0x4f: {  	_ =	shalt  }
0x50: {  	_ =	shalt  }
0x51: {  	_ =	shalt  }
0x52: {  	_ =	shalt  }
0x53: {  	_ =	shalt  }
0x54: {  	_ =	shalt  }
0x55: {  	_ =	shalt  }
0x56: {  	_ =	shalt  }
0x57: {  	_ =	shalt  }
0x58: {  	_ =	shalt  }
0x59: {  	_ =	shalt  }
0x5a: {  	_ =	shalt  }
0x5b: {  	_ =	shalt  }
0x5c: {  	_ =	shalt  }
0x5d: {  	_ =	shalt  }
0x5e: {  	_ =	shalt  }
0x5f: {  	_ =	shalt  }
0x60: {  	_ =	shalt  }
0x61: {  	_ =	shalt  }
0x62: {  	_ =	shalt  }
0x63: {  	_ =	shalt  }
0x64: {  	_ =	shalt  }
0x65: {  	_ =	shalt  }
0x66: {  	_ =	shalt  }
0x67: {  	_ =	shalt  }
0x68: {  	_ =	shalt  }
0x69: {  	_ =	shalt  }
0x6a: {  	_ =	shalt  }
0x6b: {  	_ =	shalt  }
0x6c: {  	_ =	shalt  }
0x6d: {  	_ =	shalt  }
0x6e: {  	_ =	shalt  }
0x6f: {  	_ =	shalt  }
0x70: {  	_ =	shalt  }
0x71: {  	_ =	shalt  }
0x72: {  	_ =	shalt  }
0x73: {  	_ =	shalt  }
0x74: {  	_ =	shalt  }
0x75: {  	_ =	shalt  }
0x76: {  	_ =	shalt  }
0x77: {  	_ =	shalt  }
0x78: {  	_ =	shalt  }
0x79: {  	_ =	shalt  }
0x7a: {  	_ =	shalt  }
0x7b: {  	_ =	shalt  }
0x7c: {  	_ =	shalt  }
0x7d: {  	_ =	shalt  }
0x7e: {  	_ =	shalt  }
0x7f: {  	_ =	shalt  }
0x80: {  	_ =	shalt  }
0x81: {  	_ =	shalt  }
0x82: {  	_ =	shalt  }
0x83: {  	_ =	shalt  }
0x84: {  	_ =	shalt  }
0x85: {  	_ =	shalt  }
0x86: {  	_ =	shalt  }
0x87: {  	_ =	shalt  }
.Lfunc_end0:
.L_simem_size_0:
called_computation_lowered:
.L_overlay_start_0:
0x88: {  	s2 =	sld [smem:$0x3FD9]  }
0x89: {  	s3 =	sld [smem:$0x3FFE];
	_ =	sdelay $0x1  }
0x8a: {  	s1 =	srdreg.scid  }
0x8b: {  	s0 =	sand.u32 $0x1, s1  }
0x8c: {  	s17 =	sshll.u32 s0, $0xA;
	s2 =	sadd.s32 s3, s2  }
0x8d: {  	s2 =	sadd.s32 s2, s17  }
0x8e: {  	[smem:$0x3FC3] =	sst s2  }
0x8f: {  	_ = 	snop  }
0x90: {  	s2 =	sld [smem:$0x3FC6]  }
0x91: {  	s18 =	sld [smem:$0x3FC5];
	(tm) =	ssettm $0x1  }
0x92: {  	s4 =	sld [smem:$0x3FFB];
	_ =	sdelay $0x3  }
0x93: {  	_ =	strace s4  }
0x94: {  	s4 =	sld [smem:$0x3FFC];
	_ =	sdelay $0x3  }
0x95: {  	_ =	strace s4  }
0x96: {  	s4 =	sld [smem:$0x3FFD];
	_ =	sdelay $0x3  }
0x97: {  	_ =	strace s4  }
0x98: {  	_ =	strace $0x8FFFFFFF  }
0x99: {  	s19 =	sld [smem:$0x3FDB];
	_ =	sdelay $0x1  }
0x9a: {  	s5 =	simm.s32 $_scs_section_size  }
0x9b: {  	s6 =	simm.s32 $_size__tile_overlayer_lowered;
	s7 =	simm.s32 $_tile_overlayer_lowered  }
0x9c: {  	s22 =	simm.s32 $0x1BFF;
	s21 =	sshll.u32 s7, $0x1;
	s4 =	sadd.s32 s5, s19  }
0x9d: {  	s8 =	simm.s32 $0x0;
	s20 =	sshll.u32 s6, $0x1;
	s6 =	sadd.s32 s21, s4  }
0x9e: {  	[timem:s8], [sflag:s22] =	dma.local [hbm:s6], s20  }
0x9f: {  	_ =	swait.ge [sflag:s22], s20  }
0xa0: {  	s5 =	ssub.s32 $0x0, s20;
	[sflag:s22] =	ssyncset.done $0x0  }
0xa1: {  	[sflag:s22] =	ssyncadd.s32 s5;
	_ =	sdelay $0x1  }
0xa2: {  	s23 =	simm.s32 $0x1B8B  }
0xa3: {  	_ =	swait.ge [sflag:s23], $0x1  }
0xa4: {  	[sflag:s23] =	ssyncset.done $0x0  }
0xa5: {  	s25 =	simm.s32 $0x1B8E;
	s24 =	sld [smem:$0x3FFE];
	[sflag:s23] =	ssyncadd.s32 $0xFFFFFFFF  }
0xa6: {  	s26 =	simm.s32 $execute0_lowered;
	[smem:$0x3FD2] =	sst s25  }
0xa7: {  	s6 =	sshll.u32 s26, $0x1;
	_ =	strace $0x80000046;
	[dreg:$0x1] =	wrdreg $0xFFFFFFFF  }
0xa8: {  	s28 =	simm.s32 $_size_execute0_lowered;
	s4 =	sadd.s32 s4, s6;
	[dreg:$0x0] =	wrdreg $0x0  }
0xa9: {  	s6 =	sshll.u32 s28, $0x1;
	[dreg:$0x2] =	wrdreg s4  }
0xaa: {  	[dreg:$0x3] =	wrdreg s6  }
0xab: {  	[dreg:$0x4] =	wrdreg $0xC0  }
0xac: {  	_ =	task [dreg:s8], $0x5FFFF  }
0xad: {  	[dreg:$0x1] =	wrdreg $0xFFFFFFFF  }
0xae: {  	[dreg:$0x0] =	wrdreg $0x60  }
0xaf: {  	[dreg:$0x2] =	wrdreg s24  }
0xb0: {  	[dreg:$0x3] =	wrdreg s2  }
0xb1: {  	[dreg:$0x4] =	wrdreg s18  }
0xb2: {  	[dreg:$0x5] =	wrdreg $0xE0000  }
0xb3: {  	[dreg:$0x6] =	wrdreg $0x162000  }
0xb4: {  	[dreg:$0x7] =	wrdreg $0x9  }
0xb5: {  	_ =	task.clear_ibuf [dreg:s8], $0x8FFFF;
	_ =	strace $0x90000046  }
0xb6: {  	s29 =	simm.s32 $0x9;
	_ =	strace $0x80000048  }
0xb7: {  	_ =	swait.ge [sflag:s29], $0x1  }
0xb8: {  	[sflag:s29] =	ssyncadd.s32 $0xFFFFFFFF  }
0xb9: {  	_ =	strace $0x90000048  }
0xba: {  	_ =	sfence  }
0xbb: {  	s30 =	sld [smem:$0x0];
	_ =	sdelay $0x2  }
0xbc: {  	s31 =	sshll.u32 s1, $0xD;
	s1 =	sshrl.u32 s1, $0x2  }
0xbd: {  	s3 =	sand.u32 $0x4000, s31;
	s1 =	sadd.s32 s1, s30  }
0xbe: {  	s0 =	sor.u32 s3, s0;
	s1 =	sshll.u32 s1, $0x11  }
0xbf: {  	s0 =	sor.u32 s1, s0  }
0xc0: {  	s0 =	sadd.s32 $0x8F2B, s0  }
0xc1: {  	[sflag:s0] =	ssyncadd.remote.s32 $0x1  }
0xc2: {  	_ =	sfence.sel $0xFFFF  }
0xc3: {  	[dreg:$0x0] =	wrdreg $0xFFFFFFFF;
	(pc) =	sbr.abs _section_cstart, $3  }
0xc4: {  	[dreg:$0x1] =	wrdreg $0xFFFFFFFF  }
0xc5: {  	_ =	task.clear_ibuf [dreg:s8], $0x2FFFF;
	_ =	strace $0x9FFFFFFF  }
0xc6: {  	(tm) =	ssettm $0x7FFFFFFF  }
0xc7: {  	_ =	shalt  }
tec
execute0_lowered:
.L_overlay_start_1:
0x0: {  	(tag) =	ssettag $0x1  }
0x1: {  	s0 =	rddreg [dreg:$0x0]  }
0x2: {  	s1 =	rddreg [dreg:$0x1]  }
0x3: {  	s2 =	rddreg [dreg:$0x2]  }
0x4: {  	s3 =	rddreg [dreg:$0x3]  }
0x5: {  	s4 =	rddreg [dreg:$0x4]  }
0x6: {  	s5 =	simm.s32 $0x0;
	s6 =	srdreg.scid;
	s11 =	stileid.u32  }
0x7: {  	s28 =	simm.s32 $0x8000;
	s29 =	simm.s32 $0x9000;
	s30 =	simm.s32 $0xA000  }
0x8: {  	s31 =	simm.s32 $0xB000;
	[smem:$0x7FF] =	sst s5;
	s7 =	sand.u32 $0x1, s6  }
0x9: {  	v0 =	vimm.f32 $3.046875000e-01;
	s6 =	sadd.s32 $0xC00, s0;
	_ =	strace $0x80000047;
	s9 =	ssub.s32 $0x2, s7  }
0xa: {  	s8 =	sadd.s32 $0x70C00, s0;
	s7 =	sshll.u32 s7, $0x17;
	(erf) = vrcp.f32 v0;
	v0 =	vimm.f32 $1.015625000e-01;
	s10 =	sshrl.u32 s9, $0x1  }
0xb: {  	s12 =	sadd.s32 $0x270C00, s0;
	[dreg:$0x6] =	wrdreg s7;
	(erf) = vrcp.f32 v0;
	s9 =	ssub.s32 s9, s10  }
0xc: {  	s7 =	simm.s32 $0x0;
	s10 =	sshll.u32 s11, $0xF;
	s19 =	smax.u32 s9, $0x1  }
0xd: {  	s11 =	smul.u32 $0x1C, s11;
	s20 =	sadd.s32 s10, s3;
	[dreg:$0x7] =	wrdreg s19  }
0xe: {  	s21 =	sadd.s32 s10, s4;
	s22 =	sor.u32 $0x2000, s10;
	[dreg:$0x8] =	wrdreg s20  }
0xf: {  	s24 =	sor.u32 $0x4000, s10;
	s26 =	sor.u32 $0x6000, s10;
	[dreg:$0x9] =	wrdreg s21  }
0x10: {  	s23 =	sadd.s32 s22, s3;
	s0 =	sadd.s32 s22, s4;
	s25 =	sadd.s32 s24, s3  }
0x11: {  	s20 =	sadd.s32 s26, s3;
	s21 =	sadd.s32 s26, s4;
	[dreg:$0xa] =	wrdreg s23  }
0x12: {  	s22 =	simm.s32 $0xC000;
	s26 =	simm.s32 $0x6000;
	[dreg:$0xb] =	wrdreg s0  }
0x13: {  	[dreg:$0xc] =	wrdreg s25;
	s0 =	sadd.s32 s24, s4;
	s23 =	simm.s32 $0x1;
	v0 =	vpop (erf)  }
0x14: {  	v2 =	vimm.f32 $0.0e+00;
	v3 =	vlaneseq.u32;
	s24 =	simm.s32 $0x2000;
	s25 =	simm.s32 $0x4000;
	[dreg:$0xd] =	wrdreg s0;
	v1 =	vpop (erf)  }
.LBB2_1:
0x15: {  	[dreg:$0xe] =	wrdreg s7;
	s0 =	simm.s32 $0x40;
	s7 =	simm.s32 $0x0  }
.LBB2_2:
0x16: {  	p0 =	sne.s32 s0, $0x7FC0;
	[tilespmem:s7+$0xC000] =	vst v2;
	s7 =	smov.u32 s0;
	s0 =	sadd.s32 $0x40, s0  }
.Ltmp0:
0x17: {  	(pc) =	sbr.rel @p0 .LBB2_2-.Ltmp0, $2  }
0x18: {  	_ =	sdelay $0x2  }
0x19: {  	s7 =	sshra.s32 s7, $0x2  }
0x1a: {  	[tilespmem:s7+$0xC000] =	vst v2;
	s7 =	simm.s32 $0x0  }
.LBB2_4:
0x1b: {  	s0 =	rddreg [dreg:$0x8]  }
0x1c: {  	[spmem:s0] =	stream.linear.scatter [tilespmem:s22], [sflag:$0x1], $0x2000, $0x38;
	[tilespmem:$0x1E400] =	vst v63  }
0x1d: {  	_ =	swait.ge [sflag:s23], $0x2000  }
0x1e: {  	[sflag:s23] =	ssyncset.done $0x0  }
0x1f: {  	s14 =	rddreg [dreg:$0x9];
	[sflag:s23] =	ssyncadd.s32 $0xFFFFE000  }
0x20: {  	[spmem:s14] =	stream.linear.scatter [tilespmem:s22], [sflag:$0x1], $0x2000, $0x38;
	[tilespmem:$0x1E400] =	vst v63  }
0x21: {  	_ =	swait.ge [sflag:s23], $0x2000  }
0x22: {  	[sflag:s23] =	ssyncset.done $0x0  }
0x23: {  	s15 =	rddreg [dreg:$0xa];
	[sflag:s23] =	ssyncadd.s32 $0xFFFFE000  }
0x24: {  	[spmem:s15] =	stream.linear.scatter [tilespmem:s22], [sflag:$0x1], $0x2000, $0x38;
	[tilespmem:$0x1E400] =	vst v63  }
0x25: {  	_ =	swait.ge [sflag:s23], $0x2000  }
0x26: {  	[sflag:s23] =	ssyncset.done $0x0  }
0x27: {  	s16 =	rddreg [dreg:$0xb];
	[sflag:s23] =	ssyncadd.s32 $0xFFFFE000  }
0x28: {  	[spmem:s16] =	stream.linear.scatter [tilespmem:s22], [sflag:$0x1], $0x2000, $0x38;
	[tilespmem:$0x1E400] =	vst v63  }
0x29: {  	_ =	swait.ge [sflag:s23], $0x2000  }
0x2a: {  	[sflag:s23] =	ssyncset.done $0x0  }
0x2b: {  	s17 =	rddreg [dreg:$0xc];
	[sflag:s23] =	ssyncadd.s32 $0xFFFFE000  }
0x2c: {  	[spmem:s17] =	stream.linear.scatter [tilespmem:s22], [sflag:$0x1], $0x2000, $0x38;
	[tilespmem:$0x1E400] =	vst v63  }
0x2d: {  	_ =	swait.ge [sflag:s23], $0x2000  }
0x2e: {  	[sflag:s23] =	ssyncset.done $0x0  }
0x2f: {  	s18 =	rddreg [dreg:$0xd];
	[sflag:s23] =	ssyncadd.s32 $0xFFFFE000  }
0x30: {  	[spmem:s18] =	stream.linear.scatter [tilespmem:s22], [sflag:$0x1], $0x2000, $0x38;
	[tilespmem:$0x1E400] =	vst v63  }
0x31: {  	_ =	swait.ge [sflag:s23], $0x2000  }
0x32: {  	[sflag:s23] =	ssyncset.done $0x0  }
0x33: {  	[sflag:s23] =	ssyncadd.s32 $0xFFFFE000  }
0x34: {  	[spmem:s20] =	stream.linear.scatter [tilespmem:s22], [sflag:$0x1], $0x2000, $0x38;
	[tilespmem:$0x1E400] =	vst v63  }
0x35: {  	_ =	swait.ge [sflag:s23], $0x2000  }
0x36: {  	[sflag:s23] =	ssyncset.done $0x0  }
0x37: {  	[sflag:s23] =	ssyncadd.s32 $0xFFFFE000  }
0x38: {  	[spmem:s21] =	stream.linear.scatter [tilespmem:s22], [sflag:$0x1], $0x2000, $0x38;
	[tilespmem:$0x1E400] =	vst v63  }
0x39: {  	_ =	swait.ge [sflag:s23], $0x2000  }
0x3a: {  	s19 =	sshll.u32 s7, $0x13;
	[sflag:s23] =	ssyncset.done $0x0;
	s9 =	rddreg [dreg:$0x6]  }
0x3b: {  	[sflag:s23] =	ssyncadd.s32 $0xFFFFE000;
	s13 =	sadd.s32 s9, s19  }
0x3c: {  	s0 =	simm.s32 $0x0;
	[bflag:$0x0] =	sbarrier.arrive $0xFFFF;
	v4 =	vmov s13  }
.LBB2_5:
0x3d: {  	s9 =	sadd.s32 s11, s0  }
0x3e: {  	s14 =	sshrl.u32 s9, $0x3  }
0x3f: {  	v5 =	vmov s14  }
0x40: {  	v5 =	vcvt.s32.f32 v5;
	_ =	sdelay $0x1  }
0x41: {  	s9 =	sshll.u32 s9, $0xA;
	v5 =	vmul.f32 $-7.812500000e-03, v5  }
0x42: {  	s18 =	simm.s32 $0x0;
	s9 =	sadd.s32 s6, s9  }
0x43: {  	[tilespmem:s18], [sflag:$0x1] =	stream.linear.gather [hbm4b:s9+s18], $0x2000, $0x38;
	v5 =	vadd.f32 $3.046875000e-01, v5;
	[tilespmem:$0x1E400] =	vst v63  }
0x44: {  	_ =	swait.ge [sflag:s23], $0x2000  }
0x45: {  	[sflag:s23] =	ssyncset.done $0x0;
	v5 =	vbroadcast v5, $0x0  }
0x46: {  	[sflag:s23] =	ssyncadd.s32 $0xFFFFE000  }
0x47: {  	v7 =	vld [tilespmem:s18+$0x0];
	v6 =	vmul.f32 v5, v1;
	_ =	sdelay $0x1  }
0x48: {  	v6 =	vadd.f32 $1.000000000e+00, v6  }
0x49: {  	s19 =	simm.s32 $0x80000;
	v8 =	vmul.f32 v5, v0  }
0x4a: {  	v9 =	vor.u32 s19, v3;
	vm0 =	vge.f32 v5, $0.0e+00;
	v6 =	vmax.f32 v6, $0.0e+00  }
0x4b: {  	v7 =	vsub.s32 v7, v4;
	v8 =	vmax.f32 v8, $-1.000000000e+00;
	v5 =	vmin.f32 v6, $1.000000000e+00  }
0x4c: {  	vm15 =	vlt.u32 v7, $0x80000;
	v8 =	vmin.f32 v8, $1.000000000e+00;
	v5 =	vsel vm0, $0x3F800000, v5  }
0x4d: {  	s15 =	simm.s32 $0x2000;
	v7 =	vsel vm15, v7, v9;
	v6 =	vmul.f32 v5, v8  }
0x4e: {  	s9 =	simm.s32 $0x4000;
	[tilespmem:s15+$0x0] =	vst v7;
	v7 =	vnsel vm15, $0x0, v5  }
0x4f: {  	s14 =	simm.s32 $0x6000;
	[tilespmem:s9+$0x0] =	vst v7;
	v7 =	vnsel vm15, $0x0, v6  }
0x50: {  	s17 =	simm.s32 $0x10;
	[tilespmem:s14+$0x0] =	vst v7  }
0x51: {  	v7 =	vld [tilespmem:s17+$0x0];
	_ =	sdelay $0x1  }
0x52: {  	s16 =	simm.s32 $0x80010;
	s18 =	simm.s32 $0x80020  }
.LBB2_6:
0x53: {  	p0 =	sne.s32 s18, $0x81FF0;
	_ =	sdelay $0x1  }
0x54: {  	v7 =	vsub.s32 v7, v4  }
0x55: {  	v8 =	vor.u32 s16, v3;
	s16 =	smov.u32 s18;
	vm0 =	vlt.u32 v7, $0x80000  }
0x56: {  	s15 =	sadd.s32 $0x10, s15;
	v7 =	vsel vm0, v7, v8  }
0x57: {  	s9 =	sadd.s32 $0x10, s9;
	[tilespmem:s15+$0x0] =	vst v7;
	v7 =	vnsel vm0, $0x0, v5  }
.Ltmp1:
0x58: {  	s14 =	sadd.s32 $0x10, s14;
	[tilespmem:s9+$0x0] =	vst v7;
	v7 =	vnsel vm0, $0x0, v6;
	(pc) =	sbr.rel @p0 .LBB2_6-.Ltmp1, $3  }
0x59: {  	s17 =	sadd.s32 $0x10, s17;
	[tilespmem:s14+$0x0] =	vst v7  }
0x5a: {  	v7 =	vld [tilespmem:s17+$0x0];
	_ =	sdelay $0x1  }
0x5b: {  	s18 =	sadd.s32 $0x10, s18  }
0x5c: {  	_ =	sdelay $0x1  }
0x5d: {  	v7 =	vsub.s32 v7, v4  }
0x5e: {  	v8 =	vor.u32 s16, v3;
	vm0 =	vlt.u32 v7, $0x80000  }
0x5f: {  	s15 =	sadd.s32 $0x10, s15;
	v7 =	vsel vm0, v7, v8  }
0x60: {  	s9 =	sadd.s32 $0x10, s9;
	v5 =	vnsel vm0, $0x0, v5;
	[tilespmem:s15+$0x0] =	vst v7  }
0x61: {  	s19 =	sadd.s32 $0x10, s14;
	[tilespmem:s9+$0x0] =	vst v5;
	v5 =	vnsel vm0, $0x0, v6  }
0x62: {  	[tilespmem:s19+$0x0] =	vst v5  }
0x63: {  	[spmem:s3] =	stream.indirect.scatter.add.f32 [tilespmem:s25], [sflag:$0x1], $0x1, s24, s24, $0xb8;
	[tilespmem:$0x1E400] =	vst v63  }
0x64: {  	s0 =	sadd.s32 $0x1, s0;
	_ =	swait.ge [sflag:s23], $0x2000  }
0x65: {  	p0 =	sne.s32 s0, $0x1C;
	[sflag:s23] =	ssyncset.done $0x0  }
.Ltmp2:
0x66: {  	[sflag:s23] =	ssyncadd.s32 $0xFFFFE000;
	(pc) =	sbr.rel @p0 .LBB2_5-.Ltmp2, $4  }
0x67: {  	[spmem:s4] =	stream.indirect.scatter.add.f32 [tilespmem:s26], [sflag:$0x1], $0x1, s24, s24, $0xb8;
	[tilespmem:$0x1E400] =	vst v63  }
0x68: {  	_ =	swait.ge [sflag:s23], $0x2000  }
0x69: {  	[sflag:s23] =	ssyncset.done $0x0  }
0x6a: {  	[sflag:s23] =	ssyncadd.s32 $0xFFFFE000  }
0x6b: {  	[bflag:$0x0] =	sbarrier.arrive $0xFFFF;
	s0 =	simm.s32 $0x0;
	s9 =	simm.s32 $0x0  }
.LBB2_9:
0x6c: {  	s14 =	sshll.u32 s9, $0xC  }
0x6d: {  	s14 =	sadd.s32 s10, s14  }
0x6e: {  	s15 =	sadd.s32 s14, s3  }
0x6f: {  	[tilespmem:s28], [sflag:$0x1] =	stream.linear.gather [spmem:s15], $0x1000, $0x38;
	[tilespmem:$0x1E400] =	vst v63  }
0x70: {  	_ =	swait.ge [sflag:s23], $0x1000  }
0x71: {  	[sflag:s23] =	ssyncset.done $0x0  }
0x72: {  	s17 =	sadd.s32 s14, s4;
	[sflag:s23] =	ssyncadd.s32 $0xFFFFF000  }
0x73: {  	[tilespmem:s29], [sflag:$0x1] =	stream.linear.gather [spmem:s17], $0x1000, $0x38;
	[tilespmem:$0x1E400] =	vst v63  }
0x74: {  	s14 =	sor.u32 s13, s14;
	_ =	swait.ge [sflag:s23], $0x1000  }
0x75: {  	s14 =	sshrl.u32 s14, $0x3;
	[sflag:s23] =	ssyncset.done $0x0  }
0x76: {  	s18 =	sadd.s32 s2, s14;
	[sflag:s23] =	ssyncadd.s32 $0xFFFFF000  }
0x77: {  	[tilespmem:s30], [sflag:$0x1] =	stream.linear.gather [hbm4b:s18+s0], $0x1000, $0x38;
	[tilespmem:$0x1E400] =	vst v63  }
0x78: {  	_ =	swait.ge [sflag:s23], $0x1000  }
0x79: {  	[sflag:s23] =	ssyncset.done $0x0  }
0x7a: {  	s19 =	sadd.s32 s1, s14;
	[sflag:s23] =	ssyncadd.s32 $0xFFFFF000  }
0x7b: {  	[tilespmem:s31], [sflag:$0x1] =	stream.linear.gather [hbm4b:s19+s0], $0x1000, $0x38;
	[tilespmem:$0x1E400] =	vst v63  }
0x7c: {  	_ =	swait.ge [sflag:s23], $0x1000  }
0x7d: {  	[sflag:s23] =	ssyncset.done $0x0  }
0x7e: {  	s16 =	simm.s32 $0x0;
	[sflag:s23] =	ssyncadd.s32 $0xFFFFF000  }
0x7f: {  	v4 =	vld [tilespmem:s16+$0x8000]  }
0x80: {  	v5 =	vld [tilespmem:s16+$0xA000];
	_ =	sdelay $0x4  }
0x81: {  	v8 =	vadd.f32 v5, v4;
	_ =	sdelay $0x1  }
0x82: {  	v6 =	vmax.f32 v8, $9.999999930e-09  }
0x83: {  	v4 =	vld [tilespmem:s16+$0xB000];
	(erf) = vrcp.f32 v6  }
0x84: {  	s15 =	simm.s32 $0x10;
	v10 =	vld [tilespmem:s16+$0x9000];
	[tilespmem:s16+$0x8000] =	vst v8  }
0x85: {  	v7 =	vld [tilespmem:s15+$0x8000]  }
0x86: {  	v9 =	vld [tilespmem:s15+$0xA000];
	_ =	sdelay $0x1  }
0x87: {  	v6 =	vld [tilespmem:s15+$0xB000];
	v11 =	vmul.f32 v4, v5;
	_ =	sdelay $0x2  }
0x88: {  	v10 =	vadd.f32 v11, v10;
	v5 =	vadd.f32 v9, v7  }
0x89: {  	vm0 =	vgt.f32 v8, $0.0e+00;
	v11 =	vpop (erf)  }
0x8a: {  	s17 =	simm.s32 $0x80;
	s18 =	simm.s32 $0xC0;
	v7 =	vmul.f32 v6, v9;
	v9 =	vmax.f32 v5, $9.999999930e-09;
	[tilespmem:s15+$0x8000] =	vst v5;
	v8 =	vmul.f32 v11, v10  }
.LBB2_10:
0x8b: {  	p0 =	sne.s32 s18, $0x3FC0  }
0x8c: {  	s19 =	sshra.s32 s17, $0x2;
	(erf) = vrcp.f32 v9;
	s17 =	smov.u32 s18;
	s18 =	sadd.s32 $0x40, s18  }
0x8d: {  	v9 =	vld [tilespmem:s19+$0x8000];
	v8 =	vsel vm0, v8, v4;
	v4 =	vmov v6  }
0x8e: {  	v10 =	vld [tilespmem:s19+$0xA000];
	[tilespmem:s16+$0x9000] =	vst v8;
	s16 =	smov.u32 s15;
	s15 =	smov.u32 s19  }
0x8f: {  	v8 =	vld [tilespmem:s16+$0x9000]  }
0x90: {  	v6 =	vld [tilespmem:s15+$0xB000];
	_ =	sdelay $0x1  }
.Ltmp3:
0x91: {  	(pc) =	sbr.rel @p0 .LBB2_10-.Ltmp3, $4  }
0x92: {  	_ = 	snop  }
0x93: {  	v11 =	vadd.f32 v10, v9;
	v8 =	vadd.f32 v7, v8  }
0x94: {  	v7 =	vmul.f32 v6, v10;
	v10 =	vpop (erf)  }
0x95: {  	vm0 =	vgt.f32 v5, $0.0e+00;
	v9 =	vmax.f32 v11, $9.999999930e-09;
	v5 =	vmovc v11;
	[tilespmem:s15+$0x8000] =	vst v11;
	v8 =	vmul.f32 v10, v8  }
0x96: {  	s17 =	sshra.s32 s17, $0x2;
	(erf) = vrcp.f32 v9  }
0x97: {  	v59 =	vld [tilespmem:s17+$0x8000];
	v4 =	vsel vm0, v8, v4  }
0x98: {  	v60 =	vld [tilespmem:s17+$0xA000];
	[tilespmem:s16+$0x9000] =	vst v4  }
0x99: {  	v4 =	vld [tilespmem:s15+$0x9000];
	_ =	sdelay $0x4  }
0x9a: {  	v9 =	vadd.f32 v60, v59;
	v4 =	vadd.f32 v7, v4  }
0x9b: {  	v61 =	vpop (erf)  }
0x9c: {  	v10 =	vmax.f32 v9, $9.999999930e-09;
	v4 =	vmul.f32 v61, v4  }
0x9d: {  	vm14 =	vgt.f32 v5, $0.0e+00;
	(erf) = vrcp.f32 v10  }
0x9e: {  	v5 =	vld [tilespmem:s17+$0xB000];
	[tilespmem:s17+$0x8000] =	vst v9;
	v4 =	vsel vm14, v4, v6  }
0x9f: {  	[tilespmem:s15+$0x9000] =	vst v4  }
0xa0: {  	v4 =	vld [tilespmem:s17+$0x9000];
	_ =	sdelay $0x2  }
0xa1: {  	v62 =	vmul.f32 v5, v60;
	_ =	sdelay $0x1  }
0xa2: {  	v4 =	vadd.f32 v62, v4  }
0xa3: {  	v63 =	vpop (erf)  }
0xa4: {  	v4 =	vmul.f32 v63, v4  }
0xa5: {  	vm15 =	vgt.f32 v9, $0.0e+00  }
0xa6: {  	v4 =	vsel vm15, v4, v5  }
0xa7: {  	s18 =	sadd.s32 s8, s14;
	[tilespmem:s17+$0x9000] =	vst v4  }
0xa8: {  	[hbm4b:s18+s5] =	stream.linear.scatter [tilespmem:s29], [sflag:$0x1], $0x1000, $0x38;
	[tilespmem:$0x1E400] =	vst v63  }
0xa9: {  	s9 =	sadd.s32 $0x1, s9;
	_ =	swait.ge [sflag:s23], $0x1000  }
0xaa: {  	p0 =	sne.s32 s9, $0x8;
	[sflag:s23] =	ssyncset.done $0x0  }
.Ltmp4:
0xab: {  	s19 =	sadd.s32 s14, s12;
	[sflag:s23] =	ssyncadd.s32 $0xFFFFF000;
	(pc) =	sbr.rel @p0 .LBB2_9-.Ltmp4, $4  }
0xac: {  	[hbm4b:s19+s5] =	stream.linear.scatter [tilespmem:s28], [sflag:$0x1], $0x1000, $0x38;
	[tilespmem:$0x1E400] =	vst v63  }
0xad: {  	_ =	swait.ge [sflag:s23], $0x1000  }
0xae: {  	[sflag:s23] =	ssyncset.done $0x0  }
0xaf: {  	[sflag:s23] =	ssyncadd.s32 $0xFFFFF000  }
0xb0: {  	s7 =	sadd.s32 $0x1, s7  }
0xb1: {  	p0 =	sne.s32 s7, $0x10  }
.Ltmp5:
0xb2: {  	_ = 	snop;
	(pc) =	sbr.rel @p0 .LBB2_4-.Ltmp5, $2  }
0xb3: {  	_ =	sdelay $0x1  }
0xb4: {  	[bflag:$0x0] =	sbarrier.arrive $0xFFFF;
	_ =	sdelay $0x1  }
0xb5: {  	s7 =	rddreg [dreg:$0xe]  }
0xb6: {  	s0 =	rddreg [dreg:$0x7];
	s7 =	sadd.s32 $0x1, s7  }
0xb7: {  	p0 =	sne.s32 s7, s0  }
.Ltmp6:
0xb8: {  	_ = 	snop;
	(pc) =	sbr.rel @p0 .LBB2_1-.Ltmp6, $1  }
0xb9: {  	_ =	sdelay $0x3  }
0xba: {  	_ =	sfence.sel $0x180000  }
0xbb: {  	[bflag:$0x0] =	sbarrier.arrive $0xFFFF  }
0xbc: {  	_ =	strace $0x90000047  }
0xbd: {  	s0 =	stileid.u32;
	[bflag:$0x2] =	sbarrier.arrive $0xFFFF  }
0xbe: {  	p0 =	sne.s32 s0, $0x0;
	s0 =	rddreg [dreg:$0x5]  }
0xbf: {  	s0 =	sadd.s32 @!p0 $0x100000, s0  }
0xc0: {  	[sflag:s0] =	ssyncadd.tile.s32 @!p0 $0x1;
	_ =	shalt  }
.Lfunc_end2:
_tile_overlayer_lowered:
.L_overlay_start_2:
0xc1: {  	(tag) =	ssettag $0x2  }
0xc2: {  	s0 =	rddreg [dreg:$0x0];
	s2 =	stileid.u32  }
0xc3: {  	s1 =	rddreg [dreg:$0x1];
	p0 =	sne.s32 s2, $0x0  }
0xc4: {  	s3 =	rddreg [dreg:$0x2];
	[bflag:$0x3] =	sbarrier.arrive $0xFFFF;
	s2 =	simm.s32 @!p0 $0x1C01  }
0xc5: {  	[timem:s3], [sflag:s2] =	dma.local @!p0 [hbm:s0], s1  }
0xc6: {  	s0 =	simm.s32 @!p0 $0x1  }
0xc7: {  	_ =	swait.ge @!p0 [sflag:s0], s1  }
0xc8: {  	s1 =	ssub.s32 @!p0 $0x0, s1;
	[sflag:s0] =	ssyncset.done @!p0 $0x0  }
0xc9: {  	[sflag:s0] =	ssyncadd.s32 @!p0 s1  }
0xca: {  	[bflag:$0x3] =	sbarrier.arrive $0xFFFF  }
0xcb: {  	_ =	shalt  }

</sc_bundles>
